<compile_context>
chip_gen: v7x
topology: tpu7x:2x2x1
jax: 0.10.2.dev20260603
libtpu: 0.0.44.dev20260713+nightly
codegen_flags: <defaults>
</compile_context>

<pallas_src>
import functools

import jax
import jax.numpy as jnp
from jax import lax
from jax.experimental import pallas as pl
from jax.experimental.pallas import tpu as pltpu
from jax.experimental.pallas import tpu_sc as plsc

_IDXW = 128


def _make_gather(B, C):
    info = plsc.get_sparse_core_info()
    _NC, _NS, _L = info.num_cores, info.num_subcores, info.num_lanes
    _NW = _NC * _NS
    b_per_w = B // _NW
    n_chunks = b_per_w // _IDXW
    mesh = plsc.VectorSubcoreMesh(core_axis_name="c", subcore_axis_name="s")

    @functools.partial(
        pl.kernel,
        out_type=jax.ShapeDtypeStruct((B,), jnp.float32),
        mesh=mesh,
        scratch_types=[
            pltpu.VMEM((b_per_w,), jnp.int32),
            pltpu.VMEM((n_chunks, _IDXW), jnp.int32),
            pltpu.VMEM((b_per_w,), jnp.float32),
            pltpu.SemaphoreType.DMA,
        ],
    )
    def gather_k(lower_raw, targets_hbm, g_hbm, tgt_v, idx_v, g_v, sem):
        wid = lax.axis_index("s") * _NC + lax.axis_index("c")
        base = wid * b_per_w
        pltpu.sync_copy(targets_hbm.at[pl.ds(base, b_per_w)], tgt_v)
        iota = lax.iota(jnp.int32, _L)
        row_stride = 8 * (B // 128) * 128
        for i in range(b_per_w // _L):
            t = tgt_v[pl.ds(i * _L, _L)]
            b_ids = (base + i * _L) + iota
            j, off = divmod(i * _L, _IDXW)
            idx_v[j, pl.ds(off, _L)] = (
                (t >> 3) * row_stride
                + (b_ids >> 7) * 1024
                + (t & 7) * 128
                + (b_ids & 127)
            )
        cps = [
            pltpu.async_copy(
                lower_raw.at[idx_v.at[j]],
                g_v.at[pl.ds(j * _IDXW, _IDXW)],
                sem,
            )
            for j in range(n_chunks)
        ]
        for cp in cps:
            cp.wait()
        pltpu.sync_copy(g_v, g_hbm.at[pl.ds(base, b_per_w)])

    return gather_k


def _make_xcopy(n):
    info = plsc.get_sparse_core_info()
    _NW = info.num_cores * info.num_subcores
    per_w = n // _NW
    n_chunks = 8
    chunk = per_w // n_chunks
    mesh = plsc.VectorSubcoreMesh(core_axis_name="c", subcore_axis_name="s")

    @functools.partial(
        pl.kernel,
        out_type=jax.ShapeDtypeStruct((n,), jnp.float32),
        mesh=mesh,
        scratch_types=[
            pltpu.VMEM((chunk,), jnp.float32),
            pltpu.VMEM((chunk,), jnp.float32),
            pltpu.SemaphoreType.DMA,
            pltpu.SemaphoreType.DMA,
            pltpu.SemaphoreType.DMA,
            pltpu.SemaphoreType.DMA,
        ],
    )
    def xcopy_k(src, dst, buf0, buf1, sr0, sr1, sw0, sw1):
        wid = lax.axis_index("s") * info.num_cores + lax.axis_index("c")
        base = wid * per_w
        bufs, srs, sws = (buf0, buf1), (sr0, sr1), (sw0, sw1)
        rd, wr = {}, {}
        for k in range(n_chunks):
            p = k % 2
            if k >= 2:
                wr[k - 2].wait()
            rd[k] = pltpu.async_copy(
                src.at[pl.ds(base + k * chunk, chunk)], bufs[p], srs[p]
            )
            if k >= 1:
                rd[k - 1].wait()
                q = (k - 1) % 2
                wr[k - 1] = pltpu.async_copy(
                    bufs[q], dst.at[pl.ds(base + (k - 1) * chunk, chunk)], sws[q]
                )
        k = n_chunks - 1
        rd[k].wait()
        wr[k] = pltpu.async_copy(
            bufs[k % 2], dst.at[pl.ds(base + k * chunk, chunk)], sws[k % 2]
        )
        wr[k - 1].wait()
        wr[k].wait()

    return xcopy_k


def _make_dense_T(B, C, BB, interpret=False):
    def body(u_ref, g_ref, t_ref, o_ref):
        row = lax.broadcasted_iota(jnp.int32, (C, BB), 0)
        res = u_ref[...] - g_ref[...]
        o_ref[...] = jnp.where(row == t_ref[...], 0.0, res)

    return pl.pallas_call(
        body,
        grid=(B // BB,),
        in_specs=[
            pl.BlockSpec((C, BB), lambda j: (0, j)),
            pl.BlockSpec((BB,), lambda j: (j,)),
            pl.BlockSpec((BB,), lambda j: (j,)),
        ],
        out_specs=pl.BlockSpec((C, BB), lambda j: (0, j)),
        out_shape=jax.ShapeDtypeStruct((C, B), jnp.float32),
        interpret=interpret,
    )


def kernel(x, lower, upper, targets):
    B, C = upper.shape
    lower_raw = (
        lower.T.reshape(C // 8, 8, B // 128, 128)
        .transpose(0, 2, 1, 3)
        .reshape(-1)
    )
    g = _make_gather(B, C)(lower_raw, targets)
    x_raw = (
        x.T.reshape(C // 8, 8, B // 128, 128)
        .transpose(0, 2, 1, 3)
        .reshape(-1)
    )
    x_flat = _make_xcopy(B * C)(x_raw)
    x_out = (
        x_flat.reshape(C // 8, B // 128, 8, 128)
        .transpose(0, 2, 1, 3)
        .reshape(C, B)
        .T
    )
    resT = _make_dense_T(B, C, 512)(upper.T, g, targets)
    return (x_out, resT.T)

# --- scband reference (transcript-rebuilt; emitter-appended) ---
"""Pipeline reference for scband-bound-final-identity-3908420239449 (READ-ONLY COPY).

The authoritative reference and input builder live on the scoring server;
editing this copy changes nothing except your own understanding.
"""

import jax, jax.numpy as jnp
import numpy as np

B = 16384
C = 1000


def setup_inputs(seed: int = 0) -> dict:
    key = jax.random.key(seed)
    k1, k2, k3, k4 = jax.random.split(key, 4)
    x = jax.random.normal(k1, (B, C), dtype=jnp.float32)
    lower = jax.random.normal(k2, (B, C), dtype=jnp.float32)
    upper = jax.random.normal(k3, (B, C), dtype=jnp.float32)
    targets = jax.random.randint(k4, (B,), 0, C, dtype=jnp.int32)
    return {"x": x, "lower": lower, "upper": upper, "targets": targets}


def reference(x, lower, upper, targets):
    # gather lower bound at the target class for each row: [B, 1]
    gathered = jnp.take_along_axis(lower, targets[:, None], axis=1)
    # res = upper - lower[b, targets[b]] broadcast over classes: [B, C]
    res = upper - gathered
    # scatter value 0 at the target class position of each row
    rows = jnp.arange(res.shape[0])
    res = res.at[rows, targets].set(0.0)
    return (x, res)

if __name__ == "__main__":
    import jax
    _d = setup_inputs()
    print(jax.jit(kernel)(*tuple(_d.values())))

</pallas_src>

<mosaic_0001>
#map = affine_map<(d0, d1) -> (0)>
module attributes {stable_mosaic.version = 14 : i64} {
  func.func @gather_k(%arg0: i32, %arg1: i32, %arg2: memref<16384000xf32, #tpu.memory_space<hbm>>, %arg3: memref<16384xi32, #tpu.memory_space<hbm>>, %arg4: memref<16384xf32, #tpu.memory_space<hbm>>, %arg5: memref<512xi32, #tpu.memory_space<vmem>>, %arg6: memref<4x128xi32, #tpu.memory_space<vmem>>, %arg7: memref<512xf32, #tpu.memory_space<vmem>>, %arg8: memref<!tpu.dma_semaphore, #tpu.memory_space<semaphore_mem>>) attributes {dimension_semantics = [#tpu.dimension_semantics<core_parallel>, #tpu.dimension_semantics<subcore_parallel>], iteration_bounds = array<i64: 2, 16>, scalar_prefetch = 0 : i64, scratch_operands = 4 : i64, tpu.core_type = #tpu.core_type<sc_vector_subcore>, window_params = [{transform_indices = #map}, {transform_indices = #map}, {transform_indices = #map}]} {
    %mul3A = arith.constant 2 : i32
    %mul3A_0 = arith.muli %arg1, %mul3A : i32
    %add3A = arith.addi %mul3A_0, %arg0 : i32
    %mul3A_1 = arith.constant 512 : i32
    %mul3A_2 = arith.muli %add3A, %mul3A_1 : i32
    "tpu.region"() ({
      %run_scoped3A = tpu.sem_alloc : memref<!tpu.dma_semaphore, #tpu.memory_space<semaphore_mem>>
      %dma_start3A_1245 = tpu.memref_slice %arg3[%mul3A_2] : memref<16384xi32, #tpu.memory_space<hbm>> -> memref<512xi32, #tpu.memory_space<hbm>>
      %dma_start3A_1246 = tpu.memref_slice %arg3[%mul3A_2] : memref<16384xi32, #tpu.memory_space<hbm>> -> memref<512xi32, #tpu.memory_space<hbm>>
      tpu.enqueue_dma source(%dma_start3A_1246 : memref<512xi32, #tpu.memory_space<hbm>>) target(%arg5 : memref<512xi32, #tpu.memory_space<vmem>>) target_semaphore(%run_scoped3A : memref<!tpu.dma_semaphore, #tpu.memory_space<semaphore_mem>>)
      %dma_wait3A_1247 = tpu.memref_slice %arg3[%mul3A_2] : memref<16384xi32, #tpu.memory_space<hbm>> -> memref<512xi32, #tpu.memory_space<hbm>>
      %dma_wait3A_1248 = tpu.memref_slice %arg3[%mul3A_2] : memref<16384xi32, #tpu.memory_space<hbm>> -> memref<512xi32, #tpu.memory_space<hbm>>
      tpu.wait_dma2 semaphore(%run_scoped3A : memref<!tpu.dma_semaphore, #tpu.memory_space<semaphore_mem>>) src(%dma_wait3A_1248 : memref<512xi32, #tpu.memory_space<hbm>>) dst(%arg5 : memref<512xi32, #tpu.memory_space<vmem>>)
      tpu.yield
    }) : () -> ()
    %iota3A = tpu.iota {dimensions = array<i32: 0>} : vector<16xi32>
    %get3A = arith.constant 0 : index
    %get3A_3 = tpu.vector_load %arg5[%get3A] {strides = array<i32>} : memref<512xi32, #tpu.memory_space<vmem>>, vector<16xi32>,
    %get3A_4 = vector.shape_cast %get3A_3 : vector<16xi32> to vector<16xi32>
    %add3A_5 = arith.constant 0 : i32
    %add3A_6 = arith.addi %mul3A_2, %add3A_5 : i32
    %add3A_7 = vector.broadcast %add3A_6 : i32 to vector<16xi32>
    %add3A_8 = arith.addi %add3A_7, %iota3A : vector<16xi32>
    %shift_right_arithmetic3A = arith.constant 3 : i32
    %shift_right_arithmetic3A_9 = vector.broadcast %shift_right_arithmetic3A : i32 to vector<16xi32>
    %shift_right_arithmetic3A_10 = arith.shrsi %get3A_4, %shift_right_arithmetic3A_9 : vector<16xi32>
    %mul3A_11 = arith.constant 131072 : i32
    %mul3A_12 = vector.broadcast %mul3A_11 : i32 to vector<16xi32>
    %mul3A_13 = arith.muli %shift_right_arithmetic3A_10, %mul3A_12 : vector<16xi32>
    %shift_right_arithmetic3A_14 = arith.constant 7 : i32
    %shift_right_arithmetic3A_15 = vector.broadcast %shift_right_arithmetic3A_14 : i32 to vector<16xi32>
    %shift_right_arithmetic3A_16 = arith.shrsi %add3A_8, %shift_right_arithmetic3A_15 : vector<16xi32>
    %mul3A_17 = arith.constant 1024 : i32
    %mul3A_18 = vector.broadcast %mul3A_17 : i32 to vector<16xi32>
    %mul3A_19 = arith.muli %shift_right_arithmetic3A_16, %mul3A_18 : vector<16xi32>
    %add3A_20 = arith.addi %mul3A_13, %mul3A_19 : vector<16xi32>
    %and3A = arith.constant 7 : i32
    %and3A_21 = vector.broadcast %and3A : i32 to vector<16xi32>
    %and3A_22 = arith.andi %get3A_4, %and3A_21 : vector<16xi32>
    %mul3A_23 = arith.constant 128 : i32
    %mul3A_24 = vector.broadcast %mul3A_23 : i32 to vector<16xi32>
    %mul3A_25 = arith.muli %and3A_22, %mul3A_24 : vector<16xi32>
    %add3A_26 = arith.addi %add3A_20, %mul3A_25 : vector<16xi32>
    %and3A_27 = arith.constant 127 : i32
    %and3A_28 = vector.broadcast %and3A_27 : i32 to vector<16xi32>
    %and3A_29 = arith.andi %add3A_8, %and3A_28 : vector<16xi32>
    %add3A_30 = arith.addi %add3A_26, %and3A_29 : vector<16xi32>
    %swap3A = arith.constant 0 : i32
    %swap3A_31 = arith.index_cast %swap3A : i32 to index
    %swap3A_32 = arith.constant 0 : index
    %swap3A_33 = tpu.vector_load %arg6[%swap3A_31, %swap3A_32] {strides = array<i32>} : memref<4x128xi32, #tpu.memory_space<vmem>>, vector<1x16xi32>,
    %swap3A_34 = vector.shape_cast %swap3A_33 : vector<1x16xi32> to vector<16xi32>
    %swap3A_35 = vector.shape_cast %add3A_30 : vector<16xi32> to vector<1x16xi32>
    tpu.vector_store %arg6[%swap3A_31, %swap3A_32], %swap3A_35 {strides = array<i32>} : memref<4x128xi32, #tpu.memory_space<vmem>>, vector<1x16xi32>,
    %get3A_36 = arith.constant 16 : index
    %get3A_37 = tpu.vector_load %arg5[%get3A_36] {strides = array<i32>} : memref<512xi32, #tpu.memory_space<vmem>>, vector<16xi32>,
    %get3A_38 = vector.shape_cast %get3A_37 : vector<16xi32> to vector<16xi32>
    %add3A_39 = arith.constant 16 : i32
    %add3A_40 = arith.addi %mul3A_2, %add3A_39 : i32
    %add3A_41 = vector.broadcast %add3A_40 : i32 to vector<16xi32>
    %add3A_42 = arith.addi %add3A_41, %iota3A : vector<16xi32>
    %shift_right_arithmetic3A_43 = arith.constant 3 : i32
    %shift_right_arithmetic3A_44 = vector.broadcast %shift_right_arithmetic3A_43 : i32 to vector<16xi32>
    %shift_right_arithmetic3A_45 = arith.shrsi %get3A_38, %shift_right_arithmetic3A_44 : vector<16xi32>
    %mul3A_46 = arith.constant 131072 : i32
    %mul3A_47 = vector.broadcast %mul3A_46 : i32 to vector<16xi32>
    %mul3A_48 = arith.muli %shift_right_arithmetic3A_45, %mul3A_47 : vector<16xi32>
    %shift_right_arithmetic3A_49 = arith.constant 7 : i32
    %shift_right_arithmetic3A_50 = vector.broadcast %shift_right_arithmetic3A_49 : i32 to vector<16xi32>
    %shift_right_arithmetic3A_51 = arith.shrsi %add3A_42, %shift_right_arithmetic3A_50 : vector<16xi32>
    %mul3A_52 = arith.constant 1024 : i32
    %mul3A_53 = vector.broadcast %mul3A_52 : i32 to vector<16xi32>
    %mul3A_54 = arith.muli %shift_right_arithmetic3A_51, %mul3A_53 : vector<16xi32>
    %add3A_55 = arith.addi %mul3A_48, %mul3A_54 : vector<16xi32>
    %and3A_56 = arith.constant 7 : i32
    %and3A_57 = vector.broadcast %and3A_56 : i32 to vector<16xi32>
    %and3A_58 = arith.andi %get3A_38, %and3A_57 : vector<16xi32>
    %mul3A_59 = arith.constant 128 : i32
    %mul3A_60 = vector.broadcast %mul3A_59 : i32 to vector<16xi32>
    %mul3A_61 = arith.muli %and3A_58, %mul3A_60 : vector<16xi32>
    %add3A_62 = arith.addi %add3A_55, %mul3A_61 : vector<16xi32>
    %and3A_63 = arith.constant 127 : i32
    %and3A_64 = vector.broadcast %and3A_63 : i32 to vector<16xi32>
    %and3A_65 = arith.andi %add3A_42, %and3A_64 : vector<16xi32>
    %add3A_66 = arith.addi %add3A_62, %and3A_65 : vector<16xi32>
    %swap3A_67 = arith.constant 0 : i32
    %swap3A_68 = arith.index_cast %swap3A_67 : i32 to index
    %swap3A_69 = arith.constant 16 : index
    %swap3A_70 = tpu.vector_load %arg6[%swap3A_68, %swap3A_69] {strides = array<i32>} : memref<4x128xi32, #tpu.memory_space<vmem>>, vector<1x16xi32>,
    %swap3A_71 = vector.shape_cast %swap3A_70 : vector<1x16xi32> to vector<16xi32>
    %swap3A_72 = vector.shape_cast %add3A_66 : vector<16xi32> to vector<1x16xi32>
    tpu.vector_store %arg6[%swap3A_68, %swap3A_69], %swap3A_72 {strides = array<i32>} : memref<4x128xi32, #tpu.memory_space<vmem>>, vector<1x16xi32>,
    %get3A_73 = arith.constant 32 : index
    %get3A_74 = tpu.vector_load %arg5[%get3A_73] {strides = array<i32>} : memref<512xi32, #tpu.memory_space<vmem>>, vector<16xi32>,
    %get3A_75 = vector.shape_cast %get3A_74 : vector<16xi32> to vector<16xi32>
    %add3A_76 = arith.constant 32 : i32
    %add3A_77 = arith.addi %mul3A_2, %add3A_76 : i32
    %add3A_78 = vector.broadcast %add3A_77 : i32 to vector<16xi32>
    %add3A_79 = arith.addi %add3A_78, %iota3A : vector<16xi32>
    %shift_right_arithmetic3A_80 = arith.constant 3 : i32
    %shift_right_arithmetic3A_81 = vector.broadcast %shift_right_arithmetic3A_80 : i32 to vector<16xi32>
    %shift_right_arithmetic3A_82 = arith.shrsi %get3A_75, %shift_right_arithmetic3A_81 : vector<16xi32>
    %mul3A_83 = arith.constant 131072 : i32
    %mul3A_84 = vector.broadcast %mul3A_83 : i32 to vector<16xi32>
    %mul3A_85 = arith.muli %shift_right_arithmetic3A_82, %mul3A_84 : vector<16xi32>
    %shift_right_arithmetic3A_86 = arith.constant 7 : i32
    %shift_right_arithmetic3A_87 = vector.broadcast %shift_right_arithmetic3A_86 : i32 to vector<16xi32>
    %shift_right_arithmetic3A_88 = arith.shrsi %add3A_79, %shift_right_arithmetic3A_87 : vector<16xi32>
    %mul3A_89 = arith.constant 1024 : i32
    %mul3A_90 = vector.broadcast %mul3A_89 : i32 to vector<16xi32>
    %mul3A_91 = arith.muli %shift_right_arithmetic3A_88, %mul3A_90 : vector<16xi32>
    %add3A_92 = arith.addi %mul3A_85, %mul3A_91 : vector<16xi32>
    %and3A_93 = arith.constant 7 : i32
    %and3A_94 = vector.broadcast %and3A_93 : i32 to vector<16xi32>
    %and3A_95 = arith.andi %get3A_75, %and3A_94 : vector<16xi32>
    %mul3A_96 = arith.constant 128 : i32
    %mul3A_97 = vector.broadcast %mul3A_96 : i32 to vector<16xi32>
    %mul3A_98 = arith.muli %and3A_95, %mul3A_97 : vector<16xi32>
    %add3A_99 = arith.addi %add3A_92, %mul3A_98 : vector<16xi32>
    %and3A_100 = arith.constant 127 : i32
    %and3A_101 = vector.broadcast %and3A_100 : i32 to vector<16xi32>
    %and3A_102 = arith.andi %add3A_79, %and3A_101 : vector<16xi32>
    %add3A_103 = arith.addi %add3A_99, %and3A_102 : vector<16xi32>
    %swap3A_104 = arith.constant 0 : i32
    %swap3A_105 = arith.index_cast %swap3A_104 : i32 to index
    %swap3A_106 = arith.constant 32 : index
    %swap3A_107 = tpu.vector_load %arg6[%swap3A_105, %swap3A_106] {strides = array<i32>} : memref<4x128xi32, #tpu.memory_space<vmem>>, vector<1x16xi32>,
    %swap3A_108 = vector.shape_cast %swap3A_107 : vector<1x16xi32> to vector<16xi32>
    %swap3A_109 = vector.shape_cast %add3A_103 : vector<16xi32> to vector<1x16xi32>
    tpu.vector_store %arg6[%swap3A_105, %swap3A_106], %swap3A_109 {strides = array<i32>} : memref<4x128xi32, #tpu.memory_space<vmem>>, vector<1x16xi32>,
    %get3A_110 = arith.constant 48 : index
    %get3A_111 = tpu.vector_load %arg5[%get3A_110] {strides = array<i32>} : memref<512xi32, #tpu.memory_space<vmem>>, vector<16xi32>,
    %get3A_112 = vector.shape_cast %get3A_111 : vector<16xi32> to vector<16xi32>
    %add3A_113 = arith.constant 48 : i32
    %add3A_114 = arith.addi %mul3A_2, %add3A_113 : i32
    %add3A_115 = vector.broadcast %add3A_114 : i32 to vector<16xi32>
    %add3A_116 = arith.addi %add3A_115, %iota3A : vector<16xi32>
    %shift_right_arithmetic3A_117 = arith.constant 3 : i32
    %shift_right_arithmetic3A_118 = vector.broadcast %shift_right_arithmetic3A_117 : i32 to vector<16xi32>
    %shift_right_arithmetic3A_119 = arith.shrsi %get3A_112, %shift_right_arithmetic3A_118 : vector<16xi32>
    %mul3A_120 = arith.constant 131072 : i32
    %mul3A_121 = vector.broadcast %mul3A_120 : i32 to vector<16xi32>
    %mul3A_122 = arith.muli %shift_right_arithmetic3A_119, %mul3A_121 : vector<16xi32>
    %shift_right_arithmetic3A_123 = arith.constant 7 : i32
    %shift_right_arithmetic3A_124 = vector.broadcast %shift_right_arithmetic3A_123 : i32 to vector<16xi32>
    %shift_right_arithmetic3A_125 = arith.shrsi %add3A_116, %shift_right_arithmetic3A_124 : vector<16xi32>
    %mul3A_126 = arith.constant 1024 : i32
    %mul3A_127 = vector.broadcast %mul3A_126 : i32 to vector<16xi32>
    %mul3A_128 = arith.muli %shift_right_arithmetic3A_125, %mul3A_127 : vector<16xi32>
    %add3A_129 = arith.addi %mul3A_122, %mul3A_128 : vector<16xi32>
    %and3A_130 = arith.constant 7 : i32
    %and3A_131 = vector.broadcast %and3A_130 : i32 to vector<16xi32>
    %and3A_132 = arith.andi %get3A_112, %and3A_131 : vector<16xi32>
    %mul3A_133 = arith.constant 128 : i32
    %mul3A_134 = vector.broadcast %mul3A_133 : i32 to vector<16xi32>
    %mul3A_135 = arith.muli %and3A_132, %mul3A_134 : vector<16xi32>
    %add3A_136 = arith.addi %add3A_129, %mul3A_135 : vector<16xi32>
    %and3A_137 = arith.constant 127 : i32
    %and3A_138 = vector.broadcast %and3A_137 : i32 to vector<16xi32>
    %and3A_139 = arith.andi %add3A_116, %and3A_138 : vector<16xi32>
    %add3A_140 = arith.addi %add3A_136, %and3A_139 : vector<16xi32>
    %swap3A_141 = arith.constant 0 : i32
    %swap3A_142 = arith.index_cast %swap3A_141 : i32 to index
    %swap3A_143 = arith.constant 48 : index
    %swap3A_144 = tpu.vector_load %arg6[%swap3A_142, %swap3A_143] {strides = array<i32>} : memref<4x128xi32, #tpu.memory_space<vmem>>, vector<1x16xi32>,
    %swap3A_145 = vector.shape_cast %swap3A_144 : vector<1x16xi32> to vector<16xi32>
    %swap3A_146 = vector.shape_cast %add3A_140 : vector<16xi32> to vector<1x16xi32>
    tpu.vector_store %arg6[%swap3A_142, %swap3A_143], %swap3A_146 {strides = array<i32>} : memref<4x128xi32, #tpu.memory_space<vmem>>, vector<1x16xi32>,
    %get3A_147 = arith.constant 64 : index
    %get3A_148 = tpu.vector_load %arg5[%get3A_147] {strides = array<i32>} : memref<512xi32, #tpu.memory_space<vmem>>, vector<16xi32>,
    %get3A_149 = vector.shape_cast %get3A_148 : vector<16xi32> to vector<16xi32>
    %add3A_150 = arith.constant 64 : i32
    %add3A_151 = arith.addi %mul3A_2, %add3A_150 : i32
    %add3A_152 = vector.broadcast %add3A_151 : i32 to vector<16xi32>
    %add3A_153 = arith.addi %add3A_152, %iota3A : vector<16xi32>
    %shift_right_arithmetic3A_154 = arith.constant 3 : i32
    %shift_right_arithmetic3A_155 = vector.broadcast %shift_right_arithmetic3A_154 : i32 to vector<16xi32>
    %shift_right_arithmetic3A_156 = arith.shrsi %get3A_149, %shift_right_arithmetic3A_155 : vector<16xi32>
    %mul3A_157 = arith.constant 131072 : i32
    %mul3A_158 = vector.broadcast %mul3A_157 : i32 to vector<16xi32>
    %mul3A_159 = arith.muli %shift_right_arithmetic3A_156, %mul3A_158 : vector<16xi32>
    %shift_right_arithmetic3A_160 = arith.constant 7 : i32
    %shift_right_arithmetic3A_161 = vector.broadcast %shift_right_arithmetic3A_160 : i32 to vector<16xi32>
    %shift_right_arithmetic3A_162 = arith.shrsi %add3A_153, %shift_right_arithmetic3A_161 : vector<16xi32>
    %mul3A_163 = arith.constant 1024 : i32
    %mul3A_164 = vector.broadcast %mul3A_163 : i32 to vector<16xi32>
    %mul3A_165 = arith.muli %shift_right_arithmetic3A_162, %mul3A_164 : vector<16xi32>
    %add3A_166 = arith.addi %mul3A_159, %mul3A_165 : vector<16xi32>
    %and3A_167 = arith.constant 7 : i32
    %and3A_168 = vector.broadcast %and3A_167 : i32 to vector<16xi32>
    %and3A_169 = arith.andi %get3A_149, %and3A_168 : vector<16xi32>
    %mul3A_170 = arith.constant 128 : i32
    %mul3A_171 = vector.broadcast %mul3A_170 : i32 to vector<16xi32>
    %mul3A_172 = arith.muli %and3A_169, %mul3A_171 : vector<16xi32>
    %add3A_173 = arith.addi %add3A_166, %mul3A_172 : vector<16xi32>
    %and3A_174 = arith.constant 127 : i32
    %and3A_175 = vector.broadcast %and3A_174 : i32 to vector<16xi32>
    %and3A_176 = arith.andi %add3A_153, %and3A_175 : vector<16xi32>
    %add3A_177 = arith.addi %add3A_173, %and3A_176 : vector<16xi32>
    %swap3A_178 = arith.constant 0 : i32
    %swap3A_179 = arith.index_cast %swap3A_178 : i32 to index
    %swap3A_180 = arith.constant 64 : index
    %swap3A_181 = tpu.vector_load %arg6[%swap3A_179, %swap3A_180] {strides = array<i32>} : memref<4x128xi32, #tpu.memory_space<vmem>>, vector<1x16xi32>,
    %swap3A_182 = vector.shape_cast %swap3A_181 : vector<1x16xi32> to vector<16xi32>
    %swap3A_183 = vector.shape_cast %add3A_177 : vector<16xi32> to vector<1x16xi32>
    tpu.vector_store %arg6[%swap3A_179, %swap3A_180], %swap3A_183 {strides = array<i32>} : memref<4x128xi32, #tpu.memory_space<vmem>>, vector<1x16xi32>,
    %get3A_184 = arith.constant 80 : index
    %get3A_185 = tpu.vector_load %arg5[%get3A_184] {strides = array<i32>} : memref<512xi32, #tpu.memory_space<vmem>>, vector<16xi32>,
    %get3A_186 = vector.shape_cast %get3A_185 : vector<16xi32> to vector<16xi32>
    %add3A_187 = arith.constant 80 : i32
    %add3A_188 = arith.addi %mul3A_2, %add3A_187 : i32
    %add3A_189 = vector.broadcast %add3A_188 : i32 to vector<16xi32>
    %add3A_190 = arith.addi %add3A_189, %iota3A : vector<16xi32>
    %shift_right_arithmetic3A_191 = arith.constant 3 : i32
    %shift_right_arithmetic3A_192 = vector.broadcast %shift_right_arithmetic3A_191 : i32 to vector<16xi32>
    %shift_right_arithmetic3A_193 = arith.shrsi %get3A_186, %shift_right_arithmetic3A_192 : vector<16xi32>
    %mul3A_194 = arith.constant 131072 : i32
    %mul3A_195 = vector.broadcast %mul3A_194 : i32 to vector<16xi32>
    %mul3A_196 = arith.muli %shift_right_arithmetic3A_193, %mul3A_195 : vector<16xi32>
    %shift_right_arithmetic3A_197 = arith.constant 7 : i32
    %shift_right_arithmetic3A_198 = vector.broadcast %shift_right_arithmetic3A_197 : i32 to vector<16xi32>
    %shift_right_arithmetic3A_199 = arith.shrsi %add3A_190, %shift_right_arithmetic3A_198 : vector<16xi32>
    %mul3A_200 = arith.constant 1024 : i32
    %mul3A_201 = vector.broadcast %mul3A_200 : i32 to vector<16xi32>
    %mul3A_202 = arith.muli %shift_right_arithmetic3A_199, %mul3A_201 : vector<16xi32>
    %add3A_203 = arith.addi %mul3A_196, %mul3A_202 : vector<16xi32>
    %and3A_204 = arith.constant 7 : i32
    %and3A_205 = vector.broadcast %and3A_204 : i32 to vector<16xi32>
    %and3A_206 = arith.andi %get3A_186, %and3A_205 : vector<16xi32>
    %mul3A_207 = arith.constant 128 : i32
    %mul3A_208 = vector.broadcast %mul3A_207 : i32 to vector<16xi32>
    %mul3A_209 = arith.muli %and3A_206, %mul3A_208 : vector<16xi32>
    %add3A_210 = arith.addi %add3A_203, %mul3A_209 : vector<16xi32>
    %and3A_211 = arith.constant 127 : i32
    %and3A_212 = vector.broadcast %and3A_211 : i32 to vector<16xi32>
    %and3A_213 = arith.andi %add3A_190, %and3A_212 : vector<16xi32>
    %add3A_214 = arith.addi %add3A_210, %and3A_213 : vector<16xi32>
    %swap3A_215 = arith.constant 0 : i32
    %swap3A_216 = arith.index_cast %swap3A_215 : i32 to index
    %swap3A_217 = arith.constant 80 : index
    %swap3A_218 = tpu.vector_load %arg6[%swap3A_216, %swap3A_217] {strides = array<i32>} : memref<4x128xi32, #tpu.memory_space<vmem>>, vector<1x16xi32>,
    %swap3A_219 = vector.shape_cast %swap3A_218 : vector<1x16xi32> to vector<16xi32>
    %swap3A_220 = vector.shape_cast %add3A_214 : vector<16xi32> to vector<1x16xi32>
    tpu.vector_store %arg6[%swap3A_216, %swap3A_217], %swap3A_220 {strides = array<i32>} : memref<4x128xi32, #tpu.memory_space<vmem>>, vector<1x16xi32>,
    %get3A_221 = arith.constant 96 : index
    %get3A_222 = tpu.vector_load %arg5[%get3A_221] {strides = array<i32>} : memref<512xi32, #tpu.memory_space<vmem>>, vector<16xi32>,
    %get3A_223 = vector.shape_cast %get3A_222 : vector<16xi32> to vector<16xi32>
    %add3A_224 = arith.constant 96 : i32
    %add3A_225 = arith.addi %mul3A_2, %add3A_224 : i32
    %add3A_226 = vector.broadcast %add3A_225 : i32 to vector<16xi32>
    %add3A_227 = arith.addi %add3A_226, %iota3A : vector<16xi32>
    %shift_right_arithmetic3A_228 = arith.constant 3 : i32
    %shift_right_arithmetic3A_229 = vector.broadcast %shift_right_arithmetic3A_228 : i32 to vector<16xi32>
    %shift_right_arithmetic3A_230 = arith.shrsi %get3A_223, %shift_right_arithmetic3A_229 : vector<16xi32>
    %mul3A_231 = arith.constant 131072 : i32
    %mul3A_232 = vector.broadcast %mul3A_231 : i32 to vector<16xi32>
    %mul3A_233 = arith.muli %shift_right_arithmetic3A_230, %mul3A_232 : vector<16xi32>
    %shift_right_arithmetic3A_234 = arith.constant 7 : i32
    %shift_right_arithmetic3A_235 = vector.broadcast %shift_right_arithmetic3A_234 : i32 to vector<16xi32>
    %shift_right_arithmetic3A_236 = arith.shrsi %add3A_227, %shift_right_arithmetic3A_235 : vector<16xi32>
    %mul3A_237 = arith.constant 1024 : i32
    %mul3A_238 = vector.broadcast %mul3A_237 : i32 to vector<16xi32>
    %mul3A_239 = arith.muli %shift_right_arithmetic3A_236, %mul3A_238 : vector<16xi32>
    %add3A_240 = arith.addi %mul3A_233, %mul3A_239 : vector<16xi32>
    %and3A_241 = arith.constant 7 : i32
    %and3A_242 = vector.broadcast %and3A_241 : i32 to vector<16xi32>
    %and3A_243 = arith.andi %get3A_223, %and3A_242 : vector<16xi32>
    %mul3A_244 = arith.constant 128 : i32
    %mul3A_245 = vector.broadcast %mul3A_244 : i32 to vector<16xi32>
    %mul3A_246 = arith.muli %and3A_243, %mul3A_245 : vector<16xi32>
    %add3A_247 = arith.addi %add3A_240, %mul3A_246 : vector<16xi32>
    %and3A_248 = arith.constant 127 : i32
    %and3A_249 = vector.broadcast %and3A_248 : i32 to vector<16xi32>
    %and3A_250 = arith.andi %add3A_227, %and3A_249 : vector<16xi32>
    %add3A_251 = arith.addi %add3A_247, %and3A_250 : vector<16xi32>
    %swap3A_252 = arith.constant 0 : i32
    %swap3A_253 = arith.index_cast %swap3A_252 : i32 to index
    %swap3A_254 = arith.constant 96 : index
    %swap3A_255 = tpu.vector_load %arg6[%swap3A_253, %swap3A_254] {strides = array<i32>} : memref<4x128xi32, #tpu.memory_space<vmem>>, vector<1x16xi32>,
    %swap3A_256 = vector.shape_cast %swap3A_255 : vector<1x16xi32> to vector<16xi32>
    %swap3A_257 = vector.shape_cast %add3A_251 : vector<16xi32> to vector<1x16xi32>
    tpu.vector_store %arg6[%swap3A_253, %swap3A_254], %swap3A_257 {strides = array<i32>} : memref<4x128xi32, #tpu.memory_space<vmem>>, vector<1x16xi32>,
    %get3A_258 = arith.constant 112 : index
    %get3A_259 = tpu.vector_load %arg5[%get3A_258] {strides = array<i32>} : memref<512xi32, #tpu.memory_space<vmem>>, vector<16xi32>,
    %get3A_260 = vector.shape_cast %get3A_259 : vector<16xi32> to vector<16xi32>
    %add3A_261 = arith.constant 112 : i32
    %add3A_262 = arith.addi %mul3A_2, %add3A_261 : i32
    %add3A_263 = vector.broadcast %add3A_262 : i32 to vector<16xi32>
    %add3A_264 = arith.addi %add3A_263, %iota3A : vector<16xi32>
    %shift_right_arithmetic3A_265 = arith.constant 3 : i32
    %shift_right_arithmetic3A_266 = vector.broadcast %shift_right_arithmetic3A_265 : i32 to vector<16xi32>
    %shift_right_arithmetic3A_267 = arith.shrsi %get3A_260, %shift_right_arithmetic3A_266 : vector<16xi32>
    %mul3A_268 = arith.constant 131072 : i32
    %mul3A_269 = vector.broadcast %mul3A_268 : i32 to vector<16xi32>
    %mul3A_270 = arith.muli %shift_right_arithmetic3A_267, %mul3A_269 : vector<16xi32>
    %shift_right_arithmetic3A_271 = arith.constant 7 : i32
    %shift_right_arithmetic3A_272 = vector.broadcast %shift_right_arithmetic3A_271 : i32 to vector<16xi32>
    %shift_right_arithmetic3A_273 = arith.shrsi %add3A_264, %shift_right_arithmetic3A_272 : vector<16xi32>
    %mul3A_274 = arith.constant 1024 : i32
    %mul3A_275 = vector.broadcast %mul3A_274 : i32 to vector<16xi32>
    %mul3A_276 = arith.muli %shift_right_arithmetic3A_273, %mul3A_275 : vector<16xi32>
    %add3A_277 = arith.addi %mul3A_270, %mul3A_276 : vector<16xi32>
    %and3A_278 = arith.constant 7 : i32
    %and3A_279 = vector.broadcast %and3A_278 : i32 to vector<16xi32>
    %and3A_280 = arith.andi %get3A_260, %and3A_279 : vector<16xi32>
    %mul3A_281 = arith.constant 128 : i32
    %mul3A_282 = vector.broadcast %mul3A_281 : i32 to vector<16xi32>
    %mul3A_283 = arith.muli %and3A_280, %mul3A_282 : vector<16xi32>
    %add3A_284 = arith.addi %add3A_277, %mul3A_283 : vector<16xi32>
    %and3A_285 = arith.constant 127 : i32
    %and3A_286 = vector.broadcast %and3A_285 : i32 to vector<16xi32>
    %and3A_287 = arith.andi %add3A_264, %and3A_286 : vector<16xi32>
    %add3A_288 = arith.addi %add3A_284, %and3A_287 : vector<16xi32>
    %swap3A_289 = arith.constant 0 : i32
    %swap3A_290 = arith.index_cast %swap3A_289 : i32 to index
    %swap3A_291 = arith.constant 112 : index
    %swap3A_292 = tpu.vector_load %arg6[%swap3A_290, %swap3A_291] {strides = array<i32>} : memref<4x128xi32, #tpu.memory_space<vmem>>, vector<1x16xi32>,
    %swap3A_293 = vector.shape_cast %swap3A_292 : vector<1x16xi32> to vector<16xi32>
    %swap3A_294 = vector.shape_cast %add3A_288 : vector<16xi32> to vector<1x16xi32>
    tpu.vector_store %arg6[%swap3A_290, %swap3A_291], %swap3A_294 {strides = array<i32>} : memref<4x128xi32, #tpu.memory_space<vmem>>, vector<1x16xi32>,
    %get3A_295 = arith.constant 128 : index
    %get3A_296 = tpu.vector_load %arg5[%get3A_295] {strides = array<i32>} : memref<512xi32, #tpu.memory_space<vmem>>, vector<16xi32>,
    %get3A_297 = vector.shape_cast %get3A_296 : vector<16xi32> to vector<16xi32>
    %add3A_298 = arith.constant 128 : i32
    %add3A_299 = arith.addi %mul3A_2, %add3A_298 : i32
    %add3A_300 = vector.broadcast %add3A_299 : i32 to vector<16xi32>
    %add3A_301 = arith.addi %add3A_300, %iota3A : vector<16xi32>
    %shift_right_arithmetic3A_302 = arith.constant 3 : i32
    %shift_right_arithmetic3A_303 = vector.broadcast %shift_right_arithmetic3A_302 : i32 to vector<16xi32>
    %shift_right_arithmetic3A_304 = arith.shrsi %get3A_297, %shift_right_arithmetic3A_303 : vector<16xi32>
    %mul3A_305 = arith.constant 131072 : i32
    %mul3A_306 = vector.broadcast %mul3A_305 : i32 to vector<16xi32>
    %mul3A_307 = arith.muli %shift_right_arithmetic3A_304, %mul3A_306 : vector<16xi32>
    %shift_right_arithmetic3A_308 = arith.constant 7 : i32
    %shift_right_arithmetic3A_309 = vector.broadcast %shift_right_arithmetic3A_308 : i32 to vector<16xi32>
    %shift_right_arithmetic3A_310 = arith.shrsi %add3A_301, %shift_right_arithmetic3A_309 : vector<16xi32>
    %mul3A_311 = arith.constant 1024 : i32
    %mul3A_312 = vector.broadcast %mul3A_311 : i32 to vector<16xi32>
    %mul3A_313 = arith.muli %shift_right_arithmetic3A_310, %mul3A_312 : vector<16xi32>
    %add3A_314 = arith.addi %mul3A_307, %mul3A_313 : vector<16xi32>
    %and3A_315 = arith.constant 7 : i32
    %and3A_316 = vector.broadcast %and3A_315 : i32 to vector<16xi32>
    %and3A_317 = arith.andi %get3A_297, %and3A_316 : vector<16xi32>
    %mul3A_318 = arith.constant 128 : i32
    %mul3A_319 = vector.broadcast %mul3A_318 : i32 to vector<16xi32>
    %mul3A_320 = arith.muli %and3A_317, %mul3A_319 : vector<16xi32>
    %add3A_321 = arith.addi %add3A_314, %mul3A_320 : vector<16xi32>
    %and3A_322 = arith.constant 127 : i32
    %and3A_323 = vector.broadcast %and3A_322 : i32 to vector<16xi32>
    %and3A_324 = arith.andi %add3A_301, %and3A_323 : vector<16xi32>
    %add3A_325 = arith.addi %add3A_321, %and3A_324 : vector<16xi32>
    %swap3A_326 = arith.constant 1 : i32
    %swap3A_327 = arith.index_cast %swap3A_326 : i32 to index
    %swap3A_328 = arith.constant 0 : index
    %swap3A_329 = tpu.vector_load %arg6[%swap3A_327, %swap3A_328] {strides = array<i32>} : memref<4x128xi32, #tpu.memory_space<vmem>>, vector<1x16xi32>,
    %swap3A_330 = vector.shape_cast %swap3A_329 : vector<1x16xi32> to vector<16xi32>
    %swap3A_331 = vector.shape_cast %add3A_325 : vector<16xi32> to vector<1x16xi32>
    tpu.vector_store %arg6[%swap3A_327, %swap3A_328], %swap3A_331 {strides = array<i32>} : memref<4x128xi32, #tpu.memory_space<vmem>>, vector<1x16xi32>,
    %get3A_332 = arith.constant 144 : index
    %get3A_333 = tpu.vector_load %arg5[%get3A_332] {strides = array<i32>} : memref<512xi32, #tpu.memory_space<vmem>>, vector<16xi32>,
    %get3A_334 = vector.shape_cast %get3A_333 : vector<16xi32> to vector<16xi32>
    %add3A_335 = arith.constant 144 : i32
    %add3A_336 = arith.addi %mul3A_2, %add3A_335 : i32
    %add3A_337 = vector.broadcast %add3A_336 : i32 to vector<16xi32>
    %add3A_338 = arith.addi %add3A_337, %iota3A : vector<16xi32>
    %shift_right_arithmetic3A_339 = arith.constant 3 : i32
    %shift_right_arithmetic3A_340 = vector.broadcast %shift_right_arithmetic3A_339 : i32 to vector<16xi32>
    %shift_right_arithmetic3A_341 = arith.shrsi %get3A_334, %shift_right_arithmetic3A_340 : vector<16xi32>
    %mul3A_342 = arith.constant 131072 : i32
    %mul3A_343 = vector.broadcast %mul3A_342 : i32 to vector<16xi32>
    %mul3A_344 = arith.muli %shift_right_arithmetic3A_341, %mul3A_343 : vector<16xi32>
    %shift_right_arithmetic3A_345 = arith.constant 7 : i32
    %shift_right_arithmetic3A_346 = vector.broadcast %shift_right_arithmetic3A_345 : i32 to vector<16xi32>
    %shift_right_arithmetic3A_347 = arith.shrsi %add3A_338, %shift_right_arithmetic3A_346 : vector<16xi32>
    %mul3A_348 = arith.constant 1024 : i32
    %mul3A_349 = vector.broadcast %mul3A_348 : i32 to vector<16xi32>
    %mul3A_350 = arith.muli %shift_right_arithmetic3A_347, %mul3A_349 : vector<16xi32>
    %add3A_351 = arith.addi %mul3A_344, %mul3A_350 : vector<16xi32>
    %and3A_352 = arith.constant 7 : i32
    %and3A_353 = vector.broadcast %and3A_352 : i32 to vector<16xi32>
    %and3A_354 = arith.andi %get3A_334, %and3A_353 : vector<16xi32>
    %mul3A_355 = arith.constant 128 : i32
    %mul3A_356 = vector.broadcast %mul3A_355 : i32 to vector<16xi32>
    %mul3A_357 = arith.muli %and3A_354, %mul3A_356 : vector<16xi32>
    %add3A_358 = arith.addi %add3A_351, %mul3A_357 : vector<16xi32>
    %and3A_359 = arith.constant 127 : i32
    %and3A_360 = vector.broadcast %and3A_359 : i32 to vector<16xi32>
    %and3A_361 = arith.andi %add3A_338, %and3A_360 : vector<16xi32>
    %add3A_362 = arith.addi %add3A_358, %and3A_361 : vector<16xi32>
    %swap3A_363 = arith.constant 1 : i32
    %swap3A_364 = arith.index_cast %swap3A_363 : i32 to index
    %swap3A_365 = arith.constant 16 : index
    %swap3A_366 = tpu.vector_load %arg6[%swap3A_364, %swap3A_365] {strides = array<i32>} : memref<4x128xi32, #tpu.memory_space<vmem>>, vector<1x16xi32>,
    %swap3A_367 = vector.shape_cast %swap3A_366 : vector<1x16xi32> to vector<16xi32>
    %swap3A_368 = vector.shape_cast %add3A_362 : vector<16xi32> to vector<1x16xi32>
    tpu.vector_store %arg6[%swap3A_364, %swap3A_365], %swap3A_368 {strides = array<i32>} : memref<4x128xi32, #tpu.memory_space<vmem>>, vector<1x16xi32>,
    %get3A_369 = arith.constant 160 : index
    %get3A_370 = tpu.vector_load %arg5[%get3A_369] {strides = array<i32>} : memref<512xi32, #tpu.memory_space<vmem>>, vector<16xi32>,
    %get3A_371 = vector.shape_cast %get3A_370 : vector<16xi32> to vector<16xi32>
    %add3A_372 = arith.constant 160 : i32
    %add3A_373 = arith.addi %mul3A_2, %add3A_372 : i32
    %add3A_374 = vector.broadcast %add3A_373 : i32 to vector<16xi32>
    %add3A_375 = arith.addi %add3A_374, %iota3A : vector<16xi32>
    %shift_right_arithmetic3A_376 = arith.constant 3 : i32
    %shift_right_arithmetic3A_377 = vector.broadcast %shift_right_arithmetic3A_376 : i32 to vector<16xi32>
    %shift_right_arithmetic3A_378 = arith.shrsi %get3A_371, %shift_right_arithmetic3A_377 : vector<16xi32>
    %mul3A_379 = arith.constant 131072 : i32
    %mul3A_380 = vector.broadcast %mul3A_379 : i32 to vector<16xi32>
    %mul3A_381 = arith.muli %shift_right_arithmetic3A_378, %mul3A_380 : vector<16xi32>
    %shift_right_arithmetic3A_382 = arith.constant 7 : i32
    %shift_right_arithmetic3A_383 = vector.broadcast %shift_right_arithmetic3A_382 : i32 to vector<16xi32>
    %shift_right_arithmetic3A_384 = arith.shrsi %add3A_375, %shift_right_arithmetic3A_383 : vector<16xi32>
    %mul3A_385 = arith.constant 1024 : i32
    %mul3A_386 = vector.broadcast %mul3A_385 : i32 to vector<16xi32>
    %mul3A_387 = arith.muli %shift_right_arithmetic3A_384, %mul3A_386 : vector<16xi32>
    %add3A_388 = arith.addi %mul3A_381, %mul3A_387 : vector<16xi32>
    %and3A_389 = arith.constant 7 : i32
    %and3A_390 = vector.broadcast %and3A_389 : i32 to vector<16xi32>
    %and3A_391 = arith.andi %get3A_371, %and3A_390 : vector<16xi32>
    %mul3A_392 = arith.constant 128 : i32
    %mul3A_393 = vector.broadcast %mul3A_392 : i32 to vector<16xi32>
    %mul3A_394 = arith.muli %and3A_391, %mul3A_393 : vector<16xi32>
    %add3A_395 = arith.addi %add3A_388, %mul3A_394 : vector<16xi32>
    %and3A_396 = arith.constant 127 : i32
    %and3A_397 = vector.broadcast %and3A_396 : i32 to vector<16xi32>
    %and3A_398 = arith.andi %add3A_375, %and3A_397 : vector<16xi32>
    %add3A_399 = arith.addi %add3A_395, %and3A_398 : vector<16xi32>
    %swap3A_400 = arith.constant 1 : i32
    %swap3A_401 = arith.index_cast %swap3A_400 : i32 to index
    %swap3A_402 = arith.constant 32 : index
    %swap3A_403 = tpu.vector_load %arg6[%swap3A_401, %swap3A_402] {strides = array<i32>} : memref<4x128xi32, #tpu.memory_space<vmem>>, vector<1x16xi32>,
    %swap3A_404 = vector.shape_cast %swap3A_403 : vector<1x16xi32> to vector<16xi32>
    %swap3A_405 = vector.shape_cast %add3A_399 : vector<16xi32> to vector<1x16xi32>
    tpu.vector_store %arg6[%swap3A_401, %swap3A_402], %swap3A_405 {strides = array<i32>} : memref<4x128xi32, #tpu.memory_space<vmem>>, vector<1x16xi32>,
    %get3A_406 = arith.constant 176 : index
    %get3A_407 = tpu.vector_load %arg5[%get3A_406] {strides = array<i32>} : memref<512xi32, #tpu.memory_space<vmem>>, vector<16xi32>,
    %get3A_408 = vector.shape_cast %get3A_407 : vector<16xi32> to vector<16xi32>
    %add3A_409 = arith.constant 176 : i32
    %add3A_410 = arith.addi %mul3A_2, %add3A_409 : i32
    %add3A_411 = vector.broadcast %add3A_410 : i32 to vector<16xi32>
    %add3A_412 = arith.addi %add3A_411, %iota3A : vector<16xi32>
    %shift_right_arithmetic3A_413 = arith.constant 3 : i32
    %shift_right_arithmetic3A_414 = vector.broadcast %shift_right_arithmetic3A_413 : i32 to vector<16xi32>
    %shift_right_arithmetic3A_415 = arith.shrsi %get3A_408, %shift_right_arithmetic3A_414 : vector<16xi32>
    %mul3A_416 = arith.constant 131072 : i32
    %mul3A_417 = vector.broadcast %mul3A_416 : i32 to vector<16xi32>
    %mul3A_418 = arith.muli %shift_right_arithmetic3A_415, %mul3A_417 : vector<16xi32>
    %shift_right_arithmetic3A_419 = arith.constant 7 : i32
    %shift_right_arithmetic3A_420 = vector.broadcast %shift_right_arithmetic3A_419 : i32 to vector<16xi32>
    %shift_right_arithmetic3A_421 = arith.shrsi %add3A_412, %shift_right_arithmetic3A_420 : vector<16xi32>
    %mul3A_422 = arith.constant 1024 : i32
    %mul3A_423 = vector.broadcast %mul3A_422 : i32 to vector<16xi32>
    %mul3A_424 = arith.muli %shift_right_arithmetic3A_421, %mul3A_423 : vector<16xi32>
    %add3A_425 = arith.addi %mul3A_418, %mul3A_424 : vector<16xi32>
    %and3A_426 = arith.constant 7 : i32
    %and3A_427 = vector.broadcast %and3A_426 : i32 to vector<16xi32>
    %and3A_428 = arith.andi %get3A_408, %and3A_427 : vector<16xi32>
    %mul3A_429 = arith.constant 128 : i32
    %mul3A_430 = vector.broadcast %mul3A_429 : i32 to vector<16xi32>
    %mul3A_431 = arith.muli %and3A_428, %mul3A_430 : vector<16xi32>
    %add3A_432 = arith.addi %add3A_425, %mul3A_431 : vector<16xi32>
    %and3A_433 = arith.constant 127 : i32
    %and3A_434 = vector.broadcast %and3A_433 : i32 to vector<16xi32>
    %and3A_435 = arith.andi %add3A_412, %and3A_434 : vector<16xi32>
    %add3A_436 = arith.addi %add3A_432, %and3A_435 : vector<16xi32>
    %swap3A_437 = arith.constant 1 : i32
    %swap3A_438 = arith.index_cast %swap3A_437 : i32 to index
    %swap3A_439 = arith.constant 48 : index
    %swap3A_440 = tpu.vector_load %arg6[%swap3A_438, %swap3A_439] {strides = array<i32>} : memref<4x128xi32, #tpu.memory_space<vmem>>, vector<1x16xi32>,
    %swap3A_441 = vector.shape_cast %swap3A_440 : vector<1x16xi32> to vector<16xi32>
    %swap3A_442 = vector.shape_cast %add3A_436 : vector<16xi32> to vector<1x16xi32>
    tpu.vector_store %arg6[%swap3A_438, %swap3A_439], %swap3A_442 {strides = array<i32>} : memref<4x128xi32, #tpu.memory_space<vmem>>, vector<1x16xi32>,
    %get3A_443 = arith.constant 192 : index
    %get3A_444 = tpu.vector_load %arg5[%get3A_443] {strides = array<i32>} : memref<512xi32, #tpu.memory_space<vmem>>, vector<16xi32>,
    %get3A_445 = vector.shape_cast %get3A_444 : vector<16xi32> to vector<16xi32>
    %add3A_446 = arith.constant 192 : i32
    %add3A_447 = arith.addi %mul3A_2, %add3A_446 : i32
    %add3A_448 = vector.broadcast %add3A_447 : i32 to vector<16xi32>
    %add3A_449 = arith.addi %add3A_448, %iota3A : vector<16xi32>
    %shift_right_arithmetic3A_450 = arith.constant 3 : i32
    %shift_right_arithmetic3A_451 = vector.broadcast %shift_right_arithmetic3A_450 : i32 to vector<16xi32>
    %shift_right_arithmetic3A_452 = arith.shrsi %get3A_445, %shift_right_arithmetic3A_451 : vector<16xi32>
    %mul3A_453 = arith.constant 131072 : i32
    %mul3A_454 = vector.broadcast %mul3A_453 : i32 to vector<16xi32>
    %mul3A_455 = arith.muli %shift_right_arithmetic3A_452, %mul3A_454 : vector<16xi32>
    %shift_right_arithmetic3A_456 = arith.constant 7 : i32
    %shift_right_arithmetic3A_457 = vector.broadcast %shift_right_arithmetic3A_456 : i32 to vector<16xi32>
    %shift_right_arithmetic3A_458 = arith.shrsi %add3A_449, %shift_right_arithmetic3A_457 : vector<16xi32>
    %mul3A_459 = arith.constant 1024 : i32
    %mul3A_460 = vector.broadcast %mul3A_459 : i32 to vector<16xi32>
    %mul3A_461 = arith.muli %shift_right_arithmetic3A_458, %mul3A_460 : vector<16xi32>
    %add3A_462 = arith.addi %mul3A_455, %mul3A_461 : vector<16xi32>
    %and3A_463 = arith.constant 7 : i32
    %and3A_464 = vector.broadcast %and3A_463 : i32 to vector<16xi32>
    %and3A_465 = arith.andi %get3A_445, %and3A_464 : vector<16xi32>
    %mul3A_466 = arith.constant 128 : i32
    %mul3A_467 = vector.broadcast %mul3A_466 : i32 to vector<16xi32>
    %mul3A_468 = arith.muli %and3A_465, %mul3A_467 : vector<16xi32>
    %add3A_469 = arith.addi %add3A_462, %mul3A_468 : vector<16xi32>
    %and3A_470 = arith.constant 127 : i32
    %and3A_471 = vector.broadcast %and3A_470 : i32 to vector<16xi32>
    %and3A_472 = arith.andi %add3A_449, %and3A_471 : vector<16xi32>
    %add3A_473 = arith.addi %add3A_469, %and3A_472 : vector<16xi32>
    %swap3A_474 = arith.constant 1 : i32
    %swap3A_475 = arith.index_cast %swap3A_474 : i32 to index
    %swap3A_476 = arith.constant 64 : index
    %swap3A_477 = tpu.vector_load %arg6[%swap3A_475, %swap3A_476] {strides = array<i32>} : memref<4x128xi32, #tpu.memory_space<vmem>>, vector<1x16xi32>,
    %swap3A_478 = vector.shape_cast %swap3A_477 : vector<1x16xi32> to vector<16xi32>
    %swap3A_479 = vector.shape_cast %add3A_473 : vector<16xi32> to vector<1x16xi32>
    tpu.vector_store %arg6[%swap3A_475, %swap3A_476], %swap3A_479 {strides = array<i32>} : memref<4x128xi32, #tpu.memory_space<vmem>>, vector<1x16xi32>,
    %get3A_480 = arith.constant 208 : index
    %get3A_481 = tpu.vector_load %arg5[%get3A_480] {strides = array<i32>} : memref<512xi32, #tpu.memory_space<vmem>>, vector<16xi32>,
    %get3A_482 = vector.shape_cast %get3A_481 : vector<16xi32> to vector<16xi32>
    %add3A_483 = arith.constant 208 : i32
    %add3A_484 = arith.addi %mul3A_2, %add3A_483 : i32
    %add3A_485 = vector.broadcast %add3A_484 : i32 to vector<16xi32>
    %add3A_486 = arith.addi %add3A_485, %iota3A : vector<16xi32>
    %shift_right_arithmetic3A_487 = arith.constant 3 : i32
    %shift_right_arithmetic3A_488 = vector.broadcast %shift_right_arithmetic3A_487 : i32 to vector<16xi32>
    %shift_right_arithmetic3A_489 = arith.shrsi %get3A_482, %shift_right_arithmetic3A_488 : vector<16xi32>
    %mul3A_490 = arith.constant 131072 : i32
    %mul3A_491 = vector.broadcast %mul3A_490 : i32 to vector<16xi32>
    %mul3A_492 = arith.muli %shift_right_arithmetic3A_489, %mul3A_491 : vector<16xi32>
    %shift_right_arithmetic3A_493 = arith.constant 7 : i32
    %shift_right_arithmetic3A_494 = vector.broadcast %shift_right_arithmetic3A_493 : i32 to vector<16xi32>
    %shift_right_arithmetic3A_495 = arith.shrsi %add3A_486, %shift_right_arithmetic3A_494 : vector<16xi32>
    %mul3A_496 = arith.constant 1024 : i32
    %mul3A_497 = vector.broadcast %mul3A_496 : i32 to vector<16xi32>
    %mul3A_498 = arith.muli %shift_right_arithmetic3A_495, %mul3A_497 : vector<16xi32>
    %add3A_499 = arith.addi %mul3A_492, %mul3A_498 : vector<16xi32>
    %and3A_500 = arith.constant 7 : i32
    %and3A_501 = vector.broadcast %and3A_500 : i32 to vector<16xi32>
    %and3A_502 = arith.andi %get3A_482, %and3A_501 : vector<16xi32>
    %mul3A_503 = arith.constant 128 : i32
    %mul3A_504 = vector.broadcast %mul3A_503 : i32 to vector<16xi32>
    %mul3A_505 = arith.muli %and3A_502, %mul3A_504 : vector<16xi32>
    %add3A_506 = arith.addi %add3A_499, %mul3A_505 : vector<16xi32>
    %and3A_507 = arith.constant 127 : i32
    %and3A_508 = vector.broadcast %and3A_507 : i32 to vector<16xi32>
    %and3A_509 = arith.andi %add3A_486, %and3A_508 : vector<16xi32>
    %add3A_510 = arith.addi %add3A_506, %and3A_509 : vector<16xi32>
    %swap3A_511 = arith.constant 1 : i32
    %swap3A_512 = arith.index_cast %swap3A_511 : i32 to index
    %swap3A_513 = arith.constant 80 : index
    %swap3A_514 = tpu.vector_load %arg6[%swap3A_512, %swap3A_513] {strides = array<i32>} : memref<4x128xi32, #tpu.memory_space<vmem>>, vector<1x16xi32>,
    %swap3A_515 = vector.shape_cast %swap3A_514 : vector<1x16xi32> to vector<16xi32>
    %swap3A_516 = vector.shape_cast %add3A_510 : vector<16xi32> to vector<1x16xi32>
    tpu.vector_store %arg6[%swap3A_512, %swap3A_513], %swap3A_516 {strides = array<i32>} : memref<4x128xi32, #tpu.memory_space<vmem>>, vector<1x16xi32>,
    %get3A_517 = arith.constant 224 : index
    %get3A_518 = tpu.vector_load %arg5[%get3A_517] {strides = array<i32>} : memref<512xi32, #tpu.memory_space<vmem>>, vector<16xi32>,
    %get3A_519 = vector.shape_cast %get3A_518 : vector<16xi32> to vector<16xi32>
    %add3A_520 = arith.constant 224 : i32
    %add3A_521 = arith.addi %mul3A_2, %add3A_520 : i32
    %add3A_522 = vector.broadcast %add3A_521 : i32 to vector<16xi32>
    %add3A_523 = arith.addi %add3A_522, %iota3A : vector<16xi32>
    %shift_right_arithmetic3A_524 = arith.constant 3 : i32
    %shift_right_arithmetic3A_525 = vector.broadcast %shift_right_arithmetic3A_524 : i32 to vector<16xi32>
    %shift_right_arithmetic3A_526 = arith.shrsi %get3A_519, %shift_right_arithmetic3A_525 : vector<16xi32>
    %mul3A_527 = arith.constant 131072 : i32
    %mul3A_528 = vector.broadcast %mul3A_527 : i32 to vector<16xi32>
    %mul3A_529 = arith.muli %shift_right_arithmetic3A_526, %mul3A_528 : vector<16xi32>
    %shift_right_arithmetic3A_530 = arith.constant 7 : i32
    %shift_right_arithmetic3A_531 = vector.broadcast %shift_right_arithmetic3A_530 : i32 to vector<16xi32>
    %shift_right_arithmetic3A_532 = arith.shrsi %add3A_523, %shift_right_arithmetic3A_531 : vector<16xi32>
    %mul3A_533 = arith.constant 1024 : i32
    %mul3A_534 = vector.broadcast %mul3A_533 : i32 to vector<16xi32>
    %mul3A_535 = arith.muli %shift_right_arithmetic3A_532, %mul3A_534 : vector<16xi32>
    %add3A_536 = arith.addi %mul3A_529, %mul3A_535 : vector<16xi32>
    %and3A_537 = arith.constant 7 : i32
    %and3A_538 = vector.broadcast %and3A_537 : i32 to vector<16xi32>
    %and3A_539 = arith.andi %get3A_519, %and3A_538 : vector<16xi32>
    %mul3A_540 = arith.constant 128 : i32
    %mul3A_541 = vector.broadcast %mul3A_540 : i32 to vector<16xi32>
    %mul3A_542 = arith.muli %and3A_539, %mul3A_541 : vector<16xi32>
    %add3A_543 = arith.addi %add3A_536, %mul3A_542 : vector<16xi32>
    %and3A_544 = arith.constant 127 : i32
    %and3A_545 = vector.broadcast %and3A_544 : i32 to vector<16xi32>
    %and3A_546 = arith.andi %add3A_523, %and3A_545 : vector<16xi32>
    %add3A_547 = arith.addi %add3A_543, %and3A_546 : vector<16xi32>
    %swap3A_548 = arith.constant 1 : i32
    %swap3A_549 = arith.index_cast %swap3A_548 : i32 to index
    %swap3A_550 = arith.constant 96 : index
    %swap3A_551 = tpu.vector_load %arg6[%swap3A_549, %swap3A_550] {strides = array<i32>} : memref<4x128xi32, #tpu.memory_space<vmem>>, vector<1x16xi32>,
    %swap3A_552 = vector.shape_cast %swap3A_551 : vector<1x16xi32> to vector<16xi32>
    %swap3A_553 = vector.shape_cast %add3A_547 : vector<16xi32> to vector<1x16xi32>
    tpu.vector_store %arg6[%swap3A_549, %swap3A_550], %swap3A_553 {strides = array<i32>} : memref<4x128xi32, #tpu.memory_space<vmem>>, vector<1x16xi32>,
    %get3A_554 = arith.constant 240 : index
    %get3A_555 = tpu.vector_load %arg5[%get3A_554] {strides = array<i32>} : memref<512xi32, #tpu.memory_space<vmem>>, vector<16xi32>,
    %get3A_556 = vector.shape_cast %get3A_555 : vector<16xi32> to vector<16xi32>
    %add3A_557 = arith.constant 240 : i32
    %add3A_558 = arith.addi %mul3A_2, %add3A_557 : i32
    %add3A_559 = vector.broadcast %add3A_558 : i32 to vector<16xi32>
    %add3A_560 = arith.addi %add3A_559, %iota3A : vector<16xi32>
    %shift_right_arithmetic3A_561 = arith.constant 3 : i32
    %shift_right_arithmetic3A_562 = vector.broadcast %shift_right_arithmetic3A_561 : i32 to vector<16xi32>
    %shift_right_arithmetic3A_563 = arith.shrsi %get3A_556, %shift_right_arithmetic3A_562 : vector<16xi32>
    %mul3A_564 = arith.constant 131072 : i32
    %mul3A_565 = vector.broadcast %mul3A_564 : i32 to vector<16xi32>
    %mul3A_566 = arith.muli %shift_right_arithmetic3A_563, %mul3A_565 : vector<16xi32>
    %shift_right_arithmetic3A_567 = arith.constant 7 : i32
    %shift_right_arithmetic3A_568 = vector.broadcast %shift_right_arithmetic3A_567 : i32 to vector<16xi32>
    %shift_right_arithmetic3A_569 = arith.shrsi %add3A_560, %shift_right_arithmetic3A_568 : vector<16xi32>
    %mul3A_570 = arith.constant 1024 : i32
    %mul3A_571 = vector.broadcast %mul3A_570 : i32 to vector<16xi32>
    %mul3A_572 = arith.muli %shift_right_arithmetic3A_569, %mul3A_571 : vector<16xi32>
    %add3A_573 = arith.addi %mul3A_566, %mul3A_572 : vector<16xi32>
    %and3A_574 = arith.constant 7 : i32
    %and3A_575 = vector.broadcast %and3A_574 : i32 to vector<16xi32>
    %and3A_576 = arith.andi %get3A_556, %and3A_575 : vector<16xi32>
    %mul3A_577 = arith.constant 128 : i32
    %mul3A_578 = vector.broadcast %mul3A_577 : i32 to vector<16xi32>
    %mul3A_579 = arith.muli %and3A_576, %mul3A_578 : vector<16xi32>
    %add3A_580 = arith.addi %add3A_573, %mul3A_579 : vector<16xi32>
    %and3A_581 = arith.constant 127 : i32
    %and3A_582 = vector.broadcast %and3A_581 : i32 to vector<16xi32>
    %and3A_583 = arith.andi %add3A_560, %and3A_582 : vector<16xi32>
    %add3A_584 = arith.addi %add3A_580, %and3A_583 : vector<16xi32>
    %swap3A_585 = arith.constant 1 : i32
    %swap3A_586 = arith.index_cast %swap3A_585 : i32 to index
    %swap3A_587 = arith.constant 112 : index
    %swap3A_588 = tpu.vector_load %arg6[%swap3A_586, %swap3A_587] {strides = array<i32>} : memref<4x128xi32, #tpu.memory_space<vmem>>, vector<1x16xi32>,
    %swap3A_589 = vector.shape_cast %swap3A_588 : vector<1x16xi32> to vector<16xi32>
    %swap3A_590 = vector.shape_cast %add3A_584 : vector<16xi32> to vector<1x16xi32>
    tpu.vector_store %arg6[%swap3A_586, %swap3A_587], %swap3A_590 {strides = array<i32>} : memref<4x128xi32, #tpu.memory_space<vmem>>, vector<1x16xi32>,
    %get3A_591 = arith.constant 256 : index
    %get3A_592 = tpu.vector_load %arg5[%get3A_591] {strides = array<i32>} : memref<512xi32, #tpu.memory_space<vmem>>, vector<16xi32>,
    %get3A_593 = vector.shape_cast %get3A_592 : vector<16xi32> to vector<16xi32>
    %add3A_594 = arith.constant 256 : i32
    %add3A_595 = arith.addi %mul3A_2, %add3A_594 : i32
    %add3A_596 = vector.broadcast %add3A_595 : i32 to vector<16xi32>
    %add3A_597 = arith.addi %add3A_596, %iota3A : vector<16xi32>
    %shift_right_arithmetic3A_598 = arith.constant 3 : i32
    %shift_right_arithmetic3A_599 = vector.broadcast %shift_right_arithmetic3A_598 : i32 to vector<16xi32>
    %shift_right_arithmetic3A_600 = arith.shrsi %get3A_593, %shift_right_arithmetic3A_599 : vector<16xi32>
    %mul3A_601 = arith.constant 131072 : i32
    %mul3A_602 = vector.broadcast %mul3A_601 : i32 to vector<16xi32>
    %mul3A_603 = arith.muli %shift_right_arithmetic3A_600, %mul3A_602 : vector<16xi32>
    %shift_right_arithmetic3A_604 = arith.constant 7 : i32
    %shift_right_arithmetic3A_605 = vector.broadcast %shift_right_arithmetic3A_604 : i32 to vector<16xi32>
    %shift_right_arithmetic3A_606 = arith.shrsi %add3A_597, %shift_right_arithmetic3A_605 : vector<16xi32>
    %mul3A_607 = arith.constant 1024 : i32
    %mul3A_608 = vector.broadcast %mul3A_607 : i32 to vector<16xi32>
    %mul3A_609 = arith.muli %shift_right_arithmetic3A_606, %mul3A_608 : vector<16xi32>
    %add3A_610 = arith.addi %mul3A_603, %mul3A_609 : vector<16xi32>
    %and3A_611 = arith.constant 7 : i32
    %and3A_612 = vector.broadcast %and3A_611 : i32 to vector<16xi32>
    %and3A_613 = arith.andi %get3A_593, %and3A_612 : vector<16xi32>
    %mul3A_614 = arith.constant 128 : i32
    %mul3A_615 = vector.broadcast %mul3A_614 : i32 to vector<16xi32>
    %mul3A_616 = arith.muli %and3A_613, %mul3A_615 : vector<16xi32>
    %add3A_617 = arith.addi %add3A_610, %mul3A_616 : vector<16xi32>
    %and3A_618 = arith.constant 127 : i32
    %and3A_619 = vector.broadcast %and3A_618 : i32 to vector<16xi32>
    %and3A_620 = arith.andi %add3A_597, %and3A_619 : vector<16xi32>
    %add3A_621 = arith.addi %add3A_617, %and3A_620 : vector<16xi32>
    %swap3A_622 = arith.constant 2 : i32
    %swap3A_623 = arith.index_cast %swap3A_622 : i32 to index
    %swap3A_624 = arith.constant 0 : index
    %swap3A_625 = tpu.vector_load %arg6[%swap3A_623, %swap3A_624] {strides = array<i32>} : memref<4x128xi32, #tpu.memory_space<vmem>>, vector<1x16xi32>,
    %swap3A_626 = vector.shape_cast %swap3A_625 : vector<1x16xi32> to vector<16xi32>
    %swap3A_627 = vector.shape_cast %add3A_621 : vector<16xi32> to vector<1x16xi32>
    tpu.vector_store %arg6[%swap3A_623, %swap3A_624], %swap3A_627 {strides = array<i32>} : memref<4x128xi32, #tpu.memory_space<vmem>>, vector<1x16xi32>,
    %get3A_628 = arith.constant 272 : index
    %get3A_629 = tpu.vector_load %arg5[%get3A_628] {strides = array<i32>} : memref<512xi32, #tpu.memory_space<vmem>>, vector<16xi32>,
    %get3A_630 = vector.shape_cast %get3A_629 : vector<16xi32> to vector<16xi32>
    %add3A_631 = arith.constant 272 : i32
    %add3A_632 = arith.addi %mul3A_2, %add3A_631 : i32
    %add3A_633 = vector.broadcast %add3A_632 : i32 to vector<16xi32>
    %add3A_634 = arith.addi %add3A_633, %iota3A : vector<16xi32>
    %shift_right_arithmetic3A_635 = arith.constant 3 : i32
    %shift_right_arithmetic3A_636 = vector.broadcast %shift_right_arithmetic3A_635 : i32 to vector<16xi32>
    %shift_right_arithmetic3A_637 = arith.shrsi %get3A_630, %shift_right_arithmetic3A_636 : vector<16xi32>
    %mul3A_638 = arith.constant 131072 : i32
    %mul3A_639 = vector.broadcast %mul3A_638 : i32 to vector<16xi32>
    %mul3A_640 = arith.muli %shift_right_arithmetic3A_637, %mul3A_639 : vector<16xi32>
    %shift_right_arithmetic3A_641 = arith.constant 7 : i32
    %shift_right_arithmetic3A_642 = vector.broadcast %shift_right_arithmetic3A_641 : i32 to vector<16xi32>
    %shift_right_arithmetic3A_643 = arith.shrsi %add3A_634, %shift_right_arithmetic3A_642 : vector<16xi32>
    %mul3A_644 = arith.constant 1024 : i32
    %mul3A_645 = vector.broadcast %mul3A_644 : i32 to vector<16xi32>
    %mul3A_646 = arith.muli %shift_right_arithmetic3A_643, %mul3A_645 : vector<16xi32>
    %add3A_647 = arith.addi %mul3A_640, %mul3A_646 : vector<16xi32>
    %and3A_648 = arith.constant 7 : i32
    %and3A_649 = vector.broadcast %and3A_648 : i32 to vector<16xi32>
    %and3A_650 = arith.andi %get3A_630, %and3A_649 : vector<16xi32>
    %mul3A_651 = arith.constant 128 : i32
    %mul3A_652 = vector.broadcast %mul3A_651 : i32 to vector<16xi32>
    %mul3A_653 = arith.muli %and3A_650, %mul3A_652 : vector<16xi32>
    %add3A_654 = arith.addi %add3A_647, %mul3A_653 : vector<16xi32>
    %and3A_655 = arith.constant 127 : i32
    %and3A_656 = vector.broadcast %and3A_655 : i32 to vector<16xi32>
    %and3A_657 = arith.andi %add3A_634, %and3A_656 : vector<16xi32>
    %add3A_658 = arith.addi %add3A_654, %and3A_657 : vector<16xi32>
    %swap3A_659 = arith.constant 2 : i32
    %swap3A_660 = arith.index_cast %swap3A_659 : i32 to index
    %swap3A_661 = arith.constant 16 : index
    %swap3A_662 = tpu.vector_load %arg6[%swap3A_660, %swap3A_661] {strides = array<i32>} : memref<4x128xi32, #tpu.memory_space<vmem>>, vector<1x16xi32>,
    %swap3A_663 = vector.shape_cast %swap3A_662 : vector<1x16xi32> to vector<16xi32>
    %swap3A_664 = vector.shape_cast %add3A_658 : vector<16xi32> to vector<1x16xi32>
    tpu.vector_store %arg6[%swap3A_660, %swap3A_661], %swap3A_664 {strides = array<i32>} : memref<4x128xi32, #tpu.memory_space<vmem>>, vector<1x16xi32>,
    %get3A_665 = arith.constant 288 : index
    %get3A_666 = tpu.vector_load %arg5[%get3A_665] {strides = array<i32>} : memref<512xi32, #tpu.memory_space<vmem>>, vector<16xi32>,
    %get3A_667 = vector.shape_cast %get3A_666 : vector<16xi32> to vector<16xi32>
    %add3A_668 = arith.constant 288 : i32
    %add3A_669 = arith.addi %mul3A_2, %add3A_668 : i32
    %add3A_670 = vector.broadcast %add3A_669 : i32 to vector<16xi32>
    %add3A_671 = arith.addi %add3A_670, %iota3A : vector<16xi32>
    %shift_right_arithmetic3A_672 = arith.constant 3 : i32
    %shift_right_arithmetic3A_673 = vector.broadcast %shift_right_arithmetic3A_672 : i32 to vector<16xi32>
    %shift_right_arithmetic3A_674 = arith.shrsi %get3A_667, %shift_right_arithmetic3A_673 : vector<16xi32>
    %mul3A_675 = arith.constant 131072 : i32
    %mul3A_676 = vector.broadcast %mul3A_675 : i32 to vector<16xi32>
    %mul3A_677 = arith.muli %shift_right_arithmetic3A_674, %mul3A_676 : vector<16xi32>
    %shift_right_arithmetic3A_678 = arith.constant 7 : i32
    %shift_right_arithmetic3A_679 = vector.broadcast %shift_right_arithmetic3A_678 : i32 to vector<16xi32>
    %shift_right_arithmetic3A_680 = arith.shrsi %add3A_671, %shift_right_arithmetic3A_679 : vector<16xi32>
    %mul3A_681 = arith.constant 1024 : i32
    %mul3A_682 = vector.broadcast %mul3A_681 : i32 to vector<16xi32>
    %mul3A_683 = arith.muli %shift_right_arithmetic3A_680, %mul3A_682 : vector<16xi32>
    %add3A_684 = arith.addi %mul3A_677, %mul3A_683 : vector<16xi32>
    %and3A_685 = arith.constant 7 : i32
    %and3A_686 = vector.broadcast %and3A_685 : i32 to vector<16xi32>
    %and3A_687 = arith.andi %get3A_667, %and3A_686 : vector<16xi32>
    %mul3A_688 = arith.constant 128 : i32
    %mul3A_689 = vector.broadcast %mul3A_688 : i32 to vector<16xi32>
    %mul3A_690 = arith.muli %and3A_687, %mul3A_689 : vector<16xi32>
    %add3A_691 = arith.addi %add3A_684, %mul3A_690 : vector<16xi32>
    %and3A_692 = arith.constant 127 : i32
    %and3A_693 = vector.broadcast %and3A_692 : i32 to vector<16xi32>
    %and3A_694 = arith.andi %add3A_671, %and3A_693 : vector<16xi32>
    %add3A_695 = arith.addi %add3A_691, %and3A_694 : vector<16xi32>
    %swap3A_696 = arith.constant 2 : i32
    %swap3A_697 = arith.index_cast %swap3A_696 : i32 to index
    %swap3A_698 = arith.constant 32 : index
    %swap3A_699 = tpu.vector_load %arg6[%swap3A_697, %swap3A_698] {strides = array<i32>} : memref<4x128xi32, #tpu.memory_space<vmem>>, vector<1x16xi32>,
    %swap3A_700 = vector.shape_cast %swap3A_699 : vector<1x16xi32> to vector<16xi32>
    %swap3A_701 = vector.shape_cast %add3A_695 : vector<16xi32> to vector<1x16xi32>
    tpu.vector_store %arg6[%swap3A_697, %swap3A_698], %swap3A_701 {strides = array<i32>} : memref<4x128xi32, #tpu.memory_space<vmem>>, vector<1x16xi32>,
    %get3A_702 = arith.constant 304 : index
    %get3A_703 = tpu.vector_load %arg5[%get3A_702] {strides = array<i32>} : memref<512xi32, #tpu.memory_space<vmem>>, vector<16xi32>,
    %get3A_704 = vector.shape_cast %get3A_703 : vector<16xi32> to vector<16xi32>
    %add3A_705 = arith.constant 304 : i32
    %add3A_706 = arith.addi %mul3A_2, %add3A_705 : i32
    %add3A_707 = vector.broadcast %add3A_706 : i32 to vector<16xi32>
    %add3A_708 = arith.addi %add3A_707, %iota3A : vector<16xi32>
    %shift_right_arithmetic3A_709 = arith.constant 3 : i32
    %shift_right_arithmetic3A_710 = vector.broadcast %shift_right_arithmetic3A_709 : i32 to vector<16xi32>
    %shift_right_arithmetic3A_711 = arith.shrsi %get3A_704, %shift_right_arithmetic3A_710 : vector<16xi32>
    %mul3A_712 = arith.constant 131072 : i32
    %mul3A_713 = vector.broadcast %mul3A_712 : i32 to vector<16xi32>
    %mul3A_714 = arith.muli %shift_right_arithmetic3A_711, %mul3A_713 : vector<16xi32>
    %shift_right_arithmetic3A_715 = arith.constant 7 : i32
    %shift_right_arithmetic3A_716 = vector.broadcast %shift_right_arithmetic3A_715 : i32 to vector<16xi32>
    %shift_right_arithmetic3A_717 = arith.shrsi %add3A_708, %shift_right_arithmetic3A_716 : vector<16xi32>
    %mul3A_718 = arith.constant 1024 : i32
    %mul3A_719 = vector.broadcast %mul3A_718 : i32 to vector<16xi32>
    %mul3A_720 = arith.muli %shift_right_arithmetic3A_717, %mul3A_719 : vector<16xi32>
    %add3A_721 = arith.addi %mul3A_714, %mul3A_720 : vector<16xi32>
    %and3A_722 = arith.constant 7 : i32
    %and3A_723 = vector.broadcast %and3A_722 : i32 to vector<16xi32>
    %and3A_724 = arith.andi %get3A_704, %and3A_723 : vector<16xi32>
    %mul3A_725 = arith.constant 128 : i32
    %mul3A_726 = vector.broadcast %mul3A_725 : i32 to vector<16xi32>
    %mul3A_727 = arith.muli %and3A_724, %mul3A_726 : vector<16xi32>
    %add3A_728 = arith.addi %add3A_721, %mul3A_727 : vector<16xi32>
    %and3A_729 = arith.constant 127 : i32
    %and3A_730 = vector.broadcast %and3A_729 : i32 to vector<16xi32>
    %and3A_731 = arith.andi %add3A_708, %and3A_730 : vector<16xi32>
    %add3A_732 = arith.addi %add3A_728, %and3A_731 : vector<16xi32>
    %swap3A_733 = arith.constant 2 : i32
    %swap3A_734 = arith.index_cast %swap3A_733 : i32 to index
    %swap3A_735 = arith.constant 48 : index
    %swap3A_736 = tpu.vector_load %arg6[%swap3A_734, %swap3A_735] {strides = array<i32>} : memref<4x128xi32, #tpu.memory_space<vmem>>, vector<1x16xi32>,
    %swap3A_737 = vector.shape_cast %swap3A_736 : vector<1x16xi32> to vector<16xi32>
    %swap3A_738 = vector.shape_cast %add3A_732 : vector<16xi32> to vector<1x16xi32>
    tpu.vector_store %arg6[%swap3A_734, %swap3A_735], %swap3A_738 {strides = array<i32>} : memref<4x128xi32, #tpu.memory_space<vmem>>, vector<1x16xi32>,
    %get3A_739 = arith.constant 320 : index
    %get3A_740 = tpu.vector_load %arg5[%get3A_739] {strides = array<i32>} : memref<512xi32, #tpu.memory_space<vmem>>, vector<16xi32>,
    %get3A_741 = vector.shape_cast %get3A_740 : vector<16xi32> to vector<16xi32>
    %add3A_742 = arith.constant 320 : i32
    %add3A_743 = arith.addi %mul3A_2, %add3A_742 : i32
    %add3A_744 = vector.broadcast %add3A_743 : i32 to vector<16xi32>
    %add3A_745 = arith.addi %add3A_744, %iota3A : vector<16xi32>
    %shift_right_arithmetic3A_746 = arith.constant 3 : i32
    %shift_right_arithmetic3A_747 = vector.broadcast %shift_right_arithmetic3A_746 : i32 to vector<16xi32>
    %shift_right_arithmetic3A_748 = arith.shrsi %get3A_741, %shift_right_arithmetic3A_747 : vector<16xi32>
    %mul3A_749 = arith.constant 131072 : i32
    %mul3A_750 = vector.broadcast %mul3A_749 : i32 to vector<16xi32>
    %mul3A_751 = arith.muli %shift_right_arithmetic3A_748, %mul3A_750 : vector<16xi32>
    %shift_right_arithmetic3A_752 = arith.constant 7 : i32
    %shift_right_arithmetic3A_753 = vector.broadcast %shift_right_arithmetic3A_752 : i32 to vector<16xi32>
    %shift_right_arithmetic3A_754 = arith.shrsi %add3A_745, %shift_right_arithmetic3A_753 : vector<16xi32>
    %mul3A_755 = arith.constant 1024 : i32
    %mul3A_756 = vector.broadcast %mul3A_755 : i32 to vector<16xi32>
    %mul3A_757 = arith.muli %shift_right_arithmetic3A_754, %mul3A_756 : vector<16xi32>
    %add3A_758 = arith.addi %mul3A_751, %mul3A_757 : vector<16xi32>
    %and3A_759 = arith.constant 7 : i32
    %and3A_760 = vector.broadcast %and3A_759 : i32 to vector<16xi32>
    %and3A_761 = arith.andi %get3A_741, %and3A_760 : vector<16xi32>
    %mul3A_762 = arith.constant 128 : i32
    %mul3A_763 = vector.broadcast %mul3A_762 : i32 to vector<16xi32>
    %mul3A_764 = arith.muli %and3A_761, %mul3A_763 : vector<16xi32>
    %add3A_765 = arith.addi %add3A_758, %mul3A_764 : vector<16xi32>
    %and3A_766 = arith.constant 127 : i32
    %and3A_767 = vector.broadcast %and3A_766 : i32 to vector<16xi32>
    %and3A_768 = arith.andi %add3A_745, %and3A_767 : vector<16xi32>
    %add3A_769 = arith.addi %add3A_765, %and3A_768 : vector<16xi32>
    %swap3A_770 = arith.constant 2 : i32
    %swap3A_771 = arith.index_cast %swap3A_770 : i32 to index
    %swap3A_772 = arith.constant 64 : index
    %swap3A_773 = tpu.vector_load %arg6[%swap3A_771, %swap3A_772] {strides = array<i32>} : memref<4x128xi32, #tpu.memory_space<vmem>>, vector<1x16xi32>,
    %swap3A_774 = vector.shape_cast %swap3A_773 : vector<1x16xi32> to vector<16xi32>
    %swap3A_775 = vector.shape_cast %add3A_769 : vector<16xi32> to vector<1x16xi32>
    tpu.vector_store %arg6[%swap3A_771, %swap3A_772], %swap3A_775 {strides = array<i32>} : memref<4x128xi32, #tpu.memory_space<vmem>>, vector<1x16xi32>,
    %get3A_776 = arith.constant 336 : index
    %get3A_777 = tpu.vector_load %arg5[%get3A_776] {strides = array<i32>} : memref<512xi32, #tpu.memory_space<vmem>>, vector<16xi32>,
    %get3A_778 = vector.shape_cast %get3A_777 : vector<16xi32> to vector<16xi32>
    %add3A_779 = arith.constant 336 : i32
    %add3A_780 = arith.addi %mul3A_2, %add3A_779 : i32
    %add3A_781 = vector.broadcast %add3A_780 : i32 to vector<16xi32>
    %add3A_782 = arith.addi %add3A_781, %iota3A : vector<16xi32>
    %shift_right_arithmetic3A_783 = arith.constant 3 : i32
    %shift_right_arithmetic3A_784 = vector.broadcast %shift_right_arithmetic3A_783 : i32 to vector<16xi32>
    %shift_right_arithmetic3A_785 = arith.shrsi %get3A_778, %shift_right_arithmetic3A_784 : vector<16xi32>
    %mul3A_786 = arith.constant 131072 : i32
    %mul3A_787 = vector.broadcast %mul3A_786 : i32 to vector<16xi32>
    %mul3A_788 = arith.muli %shift_right_arithmetic3A_785, %mul3A_787 : vector<16xi32>
    %shift_right_arithmetic3A_789 = arith.constant 7 : i32
    %shift_right_arithmetic3A_790 = vector.broadcast %shift_right_arithmetic3A_789 : i32 to vector<16xi32>
    %shift_right_arithmetic3A_791 = arith.shrsi %add3A_782, %shift_right_arithmetic3A_790 : vector<16xi32>
    %mul3A_792 = arith.constant 1024 : i32
    %mul3A_793 = vector.broadcast %mul3A_792 : i32 to vector<16xi32>
    %mul3A_794 = arith.muli %shift_right_arithmetic3A_791, %mul3A_793 : vector<16xi32>
    %add3A_795 = arith.addi %mul3A_788, %mul3A_794 : vector<16xi32>
    %and3A_796 = arith.constant 7 : i32
    %and3A_797 = vector.broadcast %and3A_796 : i32 to vector<16xi32>
    %and3A_798 = arith.andi %get3A_778, %and3A_797 : vector<16xi32>
    %mul3A_799 = arith.constant 128 : i32
    %mul3A_800 = vector.broadcast %mul3A_799 : i32 to vector<16xi32>
    %mul3A_801 = arith.muli %and3A_798, %mul3A_800 : vector<16xi32>
    %add3A_802 = arith.addi %add3A_795, %mul3A_801 : vector<16xi32>
    %and3A_803 = arith.constant 127 : i32
    %and3A_804 = vector.broadcast %and3A_803 : i32 to vector<16xi32>
    %and3A_805 = arith.andi %add3A_782, %and3A_804 : vector<16xi32>
    %add3A_806 = arith.addi %add3A_802, %and3A_805 : vector<16xi32>
    %swap3A_807 = arith.constant 2 : i32
    %swap3A_808 = arith.index_cast %swap3A_807 : i32 to index
    %swap3A_809 = arith.constant 80 : index
    %swap3A_810 = tpu.vector_load %arg6[%swap3A_808, %swap3A_809] {strides = array<i32>} : memref<4x128xi32, #tpu.memory_space<vmem>>, vector<1x16xi32>,
    %swap3A_811 = vector.shape_cast %swap3A_810 : vector<1x16xi32> to vector<16xi32>
    %swap3A_812 = vector.shape_cast %add3A_806 : vector<16xi32> to vector<1x16xi32>
    tpu.vector_store %arg6[%swap3A_808, %swap3A_809], %swap3A_812 {strides = array<i32>} : memref<4x128xi32, #tpu.memory_space<vmem>>, vector<1x16xi32>,
    %get3A_813 = arith.constant 352 : index
    %get3A_814 = tpu.vector_load %arg5[%get3A_813] {strides = array<i32>} : memref<512xi32, #tpu.memory_space<vmem>>, vector<16xi32>,
    %get3A_815 = vector.shape_cast %get3A_814 : vector<16xi32> to vector<16xi32>
    %add3A_816 = arith.constant 352 : i32
    %add3A_817 = arith.addi %mul3A_2, %add3A_816 : i32
    %add3A_818 = vector.broadcast %add3A_817 : i32 to vector<16xi32>
    %add3A_819 = arith.addi %add3A_818, %iota3A : vector<16xi32>
    %shift_right_arithmetic3A_820 = arith.constant 3 : i32
    %shift_right_arithmetic3A_821 = vector.broadcast %shift_right_arithmetic3A_820 : i32 to vector<16xi32>
    %shift_right_arithmetic3A_822 = arith.shrsi %get3A_815, %shift_right_arithmetic3A_821 : vector<16xi32>
    %mul3A_823 = arith.constant 131072 : i32
    %mul3A_824 = vector.broadcast %mul3A_823 : i32 to vector<16xi32>
    %mul3A_825 = arith.muli %shift_right_arithmetic3A_822, %mul3A_824 : vector<16xi32>
    %shift_right_arithmetic3A_826 = arith.constant 7 : i32
    %shift_right_arithmetic3A_827 = vector.broadcast %shift_right_arithmetic3A_826 : i32 to vector<16xi32>
    %shift_right_arithmetic3A_828 = arith.shrsi %add3A_819, %shift_right_arithmetic3A_827 : vector<16xi32>
    %mul3A_829 = arith.constant 1024 : i32
    %mul3A_830 = vector.broadcast %mul3A_829 : i32 to vector<16xi32>
    %mul3A_831 = arith.muli %shift_right_arithmetic3A_828, %mul3A_830 : vector<16xi32>
    %add3A_832 = arith.addi %mul3A_825, %mul3A_831 : vector<16xi32>
    %and3A_833 = arith.constant 7 : i32
    %and3A_834 = vector.broadcast %and3A_833 : i32 to vector<16xi32>
    %and3A_835 = arith.andi %get3A_815, %and3A_834 : vector<16xi32>
    %mul3A_836 = arith.constant 128 : i32
    %mul3A_837 = vector.broadcast %mul3A_836 : i32 to vector<16xi32>
    %mul3A_838 = arith.muli %and3A_835, %mul3A_837 : vector<16xi32>
    %add3A_839 = arith.addi %add3A_832, %mul3A_838 : vector<16xi32>
    %and3A_840 = arith.constant 127 : i32
    %and3A_841 = vector.broadcast %and3A_840 : i32 to vector<16xi32>
    %and3A_842 = arith.andi %add3A_819, %and3A_841 : vector<16xi32>
    %add3A_843 = arith.addi %add3A_839, %and3A_842 : vector<16xi32>
    %swap3A_844 = arith.constant 2 : i32
    %swap3A_845 = arith.index_cast %swap3A_844 : i32 to index
    %swap3A_846 = arith.constant 96 : index
    %swap3A_847 = tpu.vector_load %arg6[%swap3A_845, %swap3A_846] {strides = array<i32>} : memref<4x128xi32, #tpu.memory_space<vmem>>, vector<1x16xi32>,
    %swap3A_848 = vector.shape_cast %swap3A_847 : vector<1x16xi32> to vector<16xi32>
    %swap3A_849 = vector.shape_cast %add3A_843 : vector<16xi32> to vector<1x16xi32>
    tpu.vector_store %arg6[%swap3A_845, %swap3A_846], %swap3A_849 {strides = array<i32>} : memref<4x128xi32, #tpu.memory_space<vmem>>, vector<1x16xi32>,
    %get3A_850 = arith.constant 368 : index
    %get3A_851 = tpu.vector_load %arg5[%get3A_850] {strides = array<i32>} : memref<512xi32, #tpu.memory_space<vmem>>, vector<16xi32>,
    %get3A_852 = vector.shape_cast %get3A_851 : vector<16xi32> to vector<16xi32>
    %add3A_853 = arith.constant 368 : i32
    %add3A_854 = arith.addi %mul3A_2, %add3A_853 : i32
    %add3A_855 = vector.broadcast %add3A_854 : i32 to vector<16xi32>
    %add3A_856 = arith.addi %add3A_855, %iota3A : vector<16xi32>
    %shift_right_arithmetic3A_857 = arith.constant 3 : i32
    %shift_right_arithmetic3A_858 = vector.broadcast %shift_right_arithmetic3A_857 : i32 to vector<16xi32>
    %shift_right_arithmetic3A_859 = arith.shrsi %get3A_852, %shift_right_arithmetic3A_858 : vector<16xi32>
    %mul3A_860 = arith.constant 131072 : i32
    %mul3A_861 = vector.broadcast %mul3A_860 : i32 to vector<16xi32>
    %mul3A_862 = arith.muli %shift_right_arithmetic3A_859, %mul3A_861 : vector<16xi32>
    %shift_right_arithmetic3A_863 = arith.constant 7 : i32
    %shift_right_arithmetic3A_864 = vector.broadcast %shift_right_arithmetic3A_863 : i32 to vector<16xi32>
    %shift_right_arithmetic3A_865 = arith.shrsi %add3A_856, %shift_right_arithmetic3A_864 : vector<16xi32>
    %mul3A_866 = arith.constant 1024 : i32
    %mul3A_867 = vector.broadcast %mul3A_866 : i32 to vector<16xi32>
    %mul3A_868 = arith.muli %shift_right_arithmetic3A_865, %mul3A_867 : vector<16xi32>
    %add3A_869 = arith.addi %mul3A_862, %mul3A_868 : vector<16xi32>
    %and3A_870 = arith.constant 7 : i32
    %and3A_871 = vector.broadcast %and3A_870 : i32 to vector<16xi32>
    %and3A_872 = arith.andi %get3A_852, %and3A_871 : vector<16xi32>
    %mul3A_873 = arith.constant 128 : i32
    %mul3A_874 = vector.broadcast %mul3A_873 : i32 to vector<16xi32>
    %mul3A_875 = arith.muli %and3A_872, %mul3A_874 : vector<16xi32>
    %add3A_876 = arith.addi %add3A_869, %mul3A_875 : vector<16xi32>
    %and3A_877 = arith.constant 127 : i32
    %and3A_878 = vector.broadcast %and3A_877 : i32 to vector<16xi32>
    %and3A_879 = arith.andi %add3A_856, %and3A_878 : vector<16xi32>
    %add3A_880 = arith.addi %add3A_876, %and3A_879 : vector<16xi32>
    %swap3A_881 = arith.constant 2 : i32
    %swap3A_882 = arith.index_cast %swap3A_881 : i32 to index
    %swap3A_883 = arith.constant 112 : index
    %swap3A_884 = tpu.vector_load %arg6[%swap3A_882, %swap3A_883] {strides = array<i32>} : memref<4x128xi32, #tpu.memory_space<vmem>>, vector<1x16xi32>,
    %swap3A_885 = vector.shape_cast %swap3A_884 : vector<1x16xi32> to vector<16xi32>
    %swap3A_886 = vector.shape_cast %add3A_880 : vector<16xi32> to vector<1x16xi32>
    tpu.vector_store %arg6[%swap3A_882, %swap3A_883], %swap3A_886 {strides = array<i32>} : memref<4x128xi32, #tpu.memory_space<vmem>>, vector<1x16xi32>,
    %get3A_887 = arith.constant 384 : index
    %get3A_888 = tpu.vector_load %arg5[%get3A_887] {strides = array<i32>} : memref<512xi32, #tpu.memory_space<vmem>>, vector<16xi32>,
    %get3A_889 = vector.shape_cast %get3A_888 : vector<16xi32> to vector<16xi32>
    %add3A_890 = arith.constant 384 : i32
    %add3A_891 = arith.addi %mul3A_2, %add3A_890 : i32
    %add3A_892 = vector.broadcast %add3A_891 : i32 to vector<16xi32>
    %add3A_893 = arith.addi %add3A_892, %iota3A : vector<16xi32>
    %shift_right_arithmetic3A_894 = arith.constant 3 : i32
    %shift_right_arithmetic3A_895 = vector.broadcast %shift_right_arithmetic3A_894 : i32 to vector<16xi32>
    %shift_right_arithmetic3A_896 = arith.shrsi %get3A_889, %shift_right_arithmetic3A_895 : vector<16xi32>
    %mul3A_897 = arith.constant 131072 : i32
    %mul3A_898 = vector.broadcast %mul3A_897 : i32 to vector<16xi32>
    %mul3A_899 = arith.muli %shift_right_arithmetic3A_896, %mul3A_898 : vector<16xi32>
    %shift_right_arithmetic3A_900 = arith.constant 7 : i32
    %shift_right_arithmetic3A_901 = vector.broadcast %shift_right_arithmetic3A_900 : i32 to vector<16xi32>
    %shift_right_arithmetic3A_902 = arith.shrsi %add3A_893, %shift_right_arithmetic3A_901 : vector<16xi32>
    %mul3A_903 = arith.constant 1024 : i32
    %mul3A_904 = vector.broadcast %mul3A_903 : i32 to vector<16xi32>
    %mul3A_905 = arith.muli %shift_right_arithmetic3A_902, %mul3A_904 : vector<16xi32>
    %add3A_906 = arith.addi %mul3A_899, %mul3A_905 : vector<16xi32>
    %and3A_907 = arith.constant 7 : i32
    %and3A_908 = vector.broadcast %and3A_907 : i32 to vector<16xi32>
    %and3A_909 = arith.andi %get3A_889, %and3A_908 : vector<16xi32>
    %mul3A_910 = arith.constant 128 : i32
    %mul3A_911 = vector.broadcast %mul3A_910 : i32 to vector<16xi32>
    %mul3A_912 = arith.muli %and3A_909, %mul3A_911 : vector<16xi32>
    %add3A_913 = arith.addi %add3A_906, %mul3A_912 : vector<16xi32>
    %and3A_914 = arith.constant 127 : i32
    %and3A_915 = vector.broadcast %and3A_914 : i32 to vector<16xi32>
    %and3A_916 = arith.andi %add3A_893, %and3A_915 : vector<16xi32>
    %add3A_917 = arith.addi %add3A_913, %and3A_916 : vector<16xi32>
    %swap3A_918 = arith.constant 3 : i32
    %swap3A_919 = arith.index_cast %swap3A_918 : i32 to index
    %swap3A_920 = arith.constant 0 : index
    %swap3A_921 = tpu.vector_load %arg6[%swap3A_919, %swap3A_920] {strides = array<i32>} : memref<4x128xi32, #tpu.memory_space<vmem>>, vector<1x16xi32>,
    %swap3A_922 = vector.shape_cast %swap3A_921 : vector<1x16xi32> to vector<16xi32>
    %swap3A_923 = vector.shape_cast %add3A_917 : vector<16xi32> to vector<1x16xi32>
    tpu.vector_store %arg6[%swap3A_919, %swap3A_920], %swap3A_923 {strides = array<i32>} : memref<4x128xi32, #tpu.memory_space<vmem>>, vector<1x16xi32>,
    %get3A_924 = arith.constant 400 : index
    %get3A_925 = tpu.vector_load %arg5[%get3A_924] {strides = array<i32>} : memref<512xi32, #tpu.memory_space<vmem>>, vector<16xi32>,
    %get3A_926 = vector.shape_cast %get3A_925 : vector<16xi32> to vector<16xi32>
    %add3A_927 = arith.constant 400 : i32
    %add3A_928 = arith.addi %mul3A_2, %add3A_927 : i32
    %add3A_929 = vector.broadcast %add3A_928 : i32 to vector<16xi32>
    %add3A_930 = arith.addi %add3A_929, %iota3A : vector<16xi32>
    %shift_right_arithmetic3A_931 = arith.constant 3 : i32
    %shift_right_arithmetic3A_932 = vector.broadcast %shift_right_arithmetic3A_931 : i32 to vector<16xi32>
    %shift_right_arithmetic3A_933 = arith.shrsi %get3A_926, %shift_right_arithmetic3A_932 : vector<16xi32>
    %mul3A_934 = arith.constant 131072 : i32
    %mul3A_935 = vector.broadcast %mul3A_934 : i32 to vector<16xi32>
    %mul3A_936 = arith.muli %shift_right_arithmetic3A_933, %mul3A_935 : vector<16xi32>
    %shift_right_arithmetic3A_937 = arith.constant 7 : i32
    %shift_right_arithmetic3A_938 = vector.broadcast %shift_right_arithmetic3A_937 : i32 to vector<16xi32>
    %shift_right_arithmetic3A_939 = arith.shrsi %add3A_930, %shift_right_arithmetic3A_938 : vector<16xi32>
    %mul3A_940 = arith.constant 1024 : i32
    %mul3A_941 = vector.broadcast %mul3A_940 : i32 to vector<16xi32>
    %mul3A_942 = arith.muli %shift_right_arithmetic3A_939, %mul3A_941 : vector<16xi32>
    %add3A_943 = arith.addi %mul3A_936, %mul3A_942 : vector<16xi32>
    %and3A_944 = arith.constant 7 : i32
    %and3A_945 = vector.broadcast %and3A_944 : i32 to vector<16xi32>
    %and3A_946 = arith.andi %get3A_926, %and3A_945 : vector<16xi32>
    %mul3A_947 = arith.constant 128 : i32
    %mul3A_948 = vector.broadcast %mul3A_947 : i32 to vector<16xi32>
    %mul3A_949 = arith.muli %and3A_946, %mul3A_948 : vector<16xi32>
    %add3A_950 = arith.addi %add3A_943, %mul3A_949 : vector<16xi32>
    %and3A_951 = arith.constant 127 : i32
    %and3A_952 = vector.broadcast %and3A_951 : i32 to vector<16xi32>
    %and3A_953 = arith.andi %add3A_930, %and3A_952 : vector<16xi32>
    %add3A_954 = arith.addi %add3A_950, %and3A_953 : vector<16xi32>
    %swap3A_955 = arith.constant 3 : i32
    %swap3A_956 = arith.index_cast %swap3A_955 : i32 to index
    %swap3A_957 = arith.constant 16 : index
    %swap3A_958 = tpu.vector_load %arg6[%swap3A_956, %swap3A_957] {strides = array<i32>} : memref<4x128xi32, #tpu.memory_space<vmem>>, vector<1x16xi32>,
    %swap3A_959 = vector.shape_cast %swap3A_958 : vector<1x16xi32> to vector<16xi32>
    %swap3A_960 = vector.shape_cast %add3A_954 : vector<16xi32> to vector<1x16xi32>
    tpu.vector_store %arg6[%swap3A_956, %swap3A_957], %swap3A_960 {strides = array<i32>} : memref<4x128xi32, #tpu.memory_space<vmem>>, vector<1x16xi32>,
    %get3A_961 = arith.constant 416 : index
    %get3A_962 = tpu.vector_load %arg5[%get3A_961] {strides = array<i32>} : memref<512xi32, #tpu.memory_space<vmem>>, vector<16xi32>,
    %get3A_963 = vector.shape_cast %get3A_962 : vector<16xi32> to vector<16xi32>
    %add3A_964 = arith.constant 416 : i32
    %add3A_965 = arith.addi %mul3A_2, %add3A_964 : i32
    %add3A_966 = vector.broadcast %add3A_965 : i32 to vector<16xi32>
    %add3A_967 = arith.addi %add3A_966, %iota3A : vector<16xi32>
    %shift_right_arithmetic3A_968 = arith.constant 3 : i32
    %shift_right_arithmetic3A_969 = vector.broadcast %shift_right_arithmetic3A_968 : i32 to vector<16xi32>
    %shift_right_arithmetic3A_970 = arith.shrsi %get3A_963, %shift_right_arithmetic3A_969 : vector<16xi32>
    %mul3A_971 = arith.constant 131072 : i32
    %mul3A_972 = vector.broadcast %mul3A_971 : i32 to vector<16xi32>
    %mul3A_973 = arith.muli %shift_right_arithmetic3A_970, %mul3A_972 : vector<16xi32>
    %shift_right_arithmetic3A_974 = arith.constant 7 : i32
    %shift_right_arithmetic3A_975 = vector.broadcast %shift_right_arithmetic3A_974 : i32 to vector<16xi32>
    %shift_right_arithmetic3A_976 = arith.shrsi %add3A_967, %shift_right_arithmetic3A_975 : vector<16xi32>
    %mul3A_977 = arith.constant 1024 : i32
    %mul3A_978 = vector.broadcast %mul3A_977 : i32 to vector<16xi32>
    %mul3A_979 = arith.muli %shift_right_arithmetic3A_976, %mul3A_978 : vector<16xi32>
    %add3A_980 = arith.addi %mul3A_973, %mul3A_979 : vector<16xi32>
    %and3A_981 = arith.constant 7 : i32
    %and3A_982 = vector.broadcast %and3A_981 : i32 to vector<16xi32>
    %and3A_983 = arith.andi %get3A_963, %and3A_982 : vector<16xi32>
    %mul3A_984 = arith.constant 128 : i32
    %mul3A_985 = vector.broadcast %mul3A_984 : i32 to vector<16xi32>
    %mul3A_986 = arith.muli %and3A_983, %mul3A_985 : vector<16xi32>
    %add3A_987 = arith.addi %add3A_980, %mul3A_986 : vector<16xi32>
    %and3A_988 = arith.constant 127 : i32
    %and3A_989 = vector.broadcast %and3A_988 : i32 to vector<16xi32>
    %and3A_990 = arith.andi %add3A_967, %and3A_989 : vector<16xi32>
    %add3A_991 = arith.addi %add3A_987, %and3A_990 : vector<16xi32>
    %swap3A_992 = arith.constant 3 : i32
    %swap3A_993 = arith.index_cast %swap3A_992 : i32 to index
    %swap3A_994 = arith.constant 32 : index
    %swap3A_995 = tpu.vector_load %arg6[%swap3A_993, %swap3A_994] {strides = array<i32>} : memref<4x128xi32, #tpu.memory_space<vmem>>, vector<1x16xi32>,
    %swap3A_996 = vector.shape_cast %swap3A_995 : vector<1x16xi32> to vector<16xi32>
    %swap3A_997 = vector.shape_cast %add3A_991 : vector<16xi32> to vector<1x16xi32>
    tpu.vector_store %arg6[%swap3A_993, %swap3A_994], %swap3A_997 {strides = array<i32>} : memref<4x128xi32, #tpu.memory_space<vmem>>, vector<1x16xi32>,
    %get3A_998 = arith.constant 432 : index
    %get3A_999 = tpu.vector_load %arg5[%get3A_998] {strides = array<i32>} : memref<512xi32, #tpu.memory_space<vmem>>, vector<16xi32>,
    %get3A_1000 = vector.shape_cast %get3A_999 : vector<16xi32> to vector<16xi32>
    %add3A_1001 = arith.constant 432 : i32
    %add3A_1002 = arith.addi %mul3A_2, %add3A_1001 : i32
    %add3A_1003 = vector.broadcast %add3A_1002 : i32 to vector<16xi32>
    %add3A_1004 = arith.addi %add3A_1003, %iota3A : vector<16xi32>
    %shift_right_arithmetic3A_1005 = arith.constant 3 : i32
    %shift_right_arithmetic3A_1006 = vector.broadcast %shift_right_arithmetic3A_1005 : i32 to vector<16xi32>
    %shift_right_arithmetic3A_1007 = arith.shrsi %get3A_1000, %shift_right_arithmetic3A_1006 : vector<16xi32>
    %mul3A_1008 = arith.constant 131072 : i32
    %mul3A_1009 = vector.broadcast %mul3A_1008 : i32 to vector<16xi32>
    %mul3A_1010 = arith.muli %shift_right_arithmetic3A_1007, %mul3A_1009 : vector<16xi32>
    %shift_right_arithmetic3A_1011 = arith.constant 7 : i32
    %shift_right_arithmetic3A_1012 = vector.broadcast %shift_right_arithmetic3A_1011 : i32 to vector<16xi32>
    %shift_right_arithmetic3A_1013 = arith.shrsi %add3A_1004, %shift_right_arithmetic3A_1012 : vector<16xi32>
    %mul3A_1014 = arith.constant 1024 : i32
    %mul3A_1015 = vector.broadcast %mul3A_1014 : i32 to vector<16xi32>
    %mul3A_1016 = arith.muli %shift_right_arithmetic3A_1013, %mul3A_1015 : vector<16xi32>
    %add3A_1017 = arith.addi %mul3A_1010, %mul3A_1016 : vector<16xi32>
    %and3A_1018 = arith.constant 7 : i32
    %and3A_1019 = vector.broadcast %and3A_1018 : i32 to vector<16xi32>
    %and3A_1020 = arith.andi %get3A_1000, %and3A_1019 : vector<16xi32>
    %mul3A_1021 = arith.constant 128 : i32
    %mul3A_1022 = vector.broadcast %mul3A_1021 : i32 to vector<16xi32>
    %mul3A_1023 = arith.muli %and3A_1020, %mul3A_1022 : vector<16xi32>
    %add3A_1024 = arith.addi %add3A_1017, %mul3A_1023 : vector<16xi32>
    %and3A_1025 = arith.constant 127 : i32
    %and3A_1026 = vector.broadcast %and3A_1025 : i32 to vector<16xi32>
    %and3A_1027 = arith.andi %add3A_1004, %and3A_1026 : vector<16xi32>
    %add3A_1028 = arith.addi %add3A_1024, %and3A_1027 : vector<16xi32>
    %swap3A_1029 = arith.constant 3 : i32
    %swap3A_1030 = arith.index_cast %swap3A_1029 : i32 to index
    %swap3A_1031 = arith.constant 48 : index
    %swap3A_1032 = tpu.vector_load %arg6[%swap3A_1030, %swap3A_1031] {strides = array<i32>} : memref<4x128xi32, #tpu.memory_space<vmem>>, vector<1x16xi32>,
    %swap3A_1033 = vector.shape_cast %swap3A_1032 : vector<1x16xi32> to vector<16xi32>
    %swap3A_1034 = vector.shape_cast %add3A_1028 : vector<16xi32> to vector<1x16xi32>
    tpu.vector_store %arg6[%swap3A_1030, %swap3A_1031], %swap3A_1034 {strides = array<i32>} : memref<4x128xi32, #tpu.memory_space<vmem>>, vector<1x16xi32>,
    %get3A_1035 = arith.constant 448 : index
    %get3A_1036 = tpu.vector_load %arg5[%get3A_1035] {strides = array<i32>} : memref<512xi32, #tpu.memory_space<vmem>>, vector<16xi32>,
    %get3A_1037 = vector.shape_cast %get3A_1036 : vector<16xi32> to vector<16xi32>
    %add3A_1038 = arith.constant 448 : i32
    %add3A_1039 = arith.addi %mul3A_2, %add3A_1038 : i32
    %add3A_1040 = vector.broadcast %add3A_1039 : i32 to vector<16xi32>
    %add3A_1041 = arith.addi %add3A_1040, %iota3A : vector<16xi32>
    %shift_right_arithmetic3A_1042 = arith.constant 3 : i32
    %shift_right_arithmetic3A_1043 = vector.broadcast %shift_right_arithmetic3A_1042 : i32 to vector<16xi32>
    %shift_right_arithmetic3A_1044 = arith.shrsi %get3A_1037, %shift_right_arithmetic3A_1043 : vector<16xi32>
    %mul3A_1045 = arith.constant 131072 : i32
    %mul3A_1046 = vector.broadcast %mul3A_1045 : i32 to vector<16xi32>
    %mul3A_1047 = arith.muli %shift_right_arithmetic3A_1044, %mul3A_1046 : vector<16xi32>
    %shift_right_arithmetic3A_1048 = arith.constant 7 : i32
    %shift_right_arithmetic3A_1049 = vector.broadcast %shift_right_arithmetic3A_1048 : i32 to vector<16xi32>
    %shift_right_arithmetic3A_1050 = arith.shrsi %add3A_1041, %shift_right_arithmetic3A_1049 : vector<16xi32>
    %mul3A_1051 = arith.constant 1024 : i32
    %mul3A_1052 = vector.broadcast %mul3A_1051 : i32 to vector<16xi32>
    %mul3A_1053 = arith.muli %shift_right_arithmetic3A_1050, %mul3A_1052 : vector<16xi32>
    %add3A_1054 = arith.addi %mul3A_1047, %mul3A_1053 : vector<16xi32>
    %and3A_1055 = arith.constant 7 : i32
    %and3A_1056 = vector.broadcast %and3A_1055 : i32 to vector<16xi32>
    %and3A_1057 = arith.andi %get3A_1037, %and3A_1056 : vector<16xi32>
    %mul3A_1058 = arith.constant 128 : i32
    %mul3A_1059 = vector.broadcast %mul3A_1058 : i32 to vector<16xi32>
    %mul3A_1060 = arith.muli %and3A_1057, %mul3A_1059 : vector<16xi32>
    %add3A_1061 = arith.addi %add3A_1054, %mul3A_1060 : vector<16xi32>
    %and3A_1062 = arith.constant 127 : i32
    %and3A_1063 = vector.broadcast %and3A_1062 : i32 to vector<16xi32>
    %and3A_1064 = arith.andi %add3A_1041, %and3A_1063 : vector<16xi32>
    %add3A_1065 = arith.addi %add3A_1061, %and3A_1064 : vector<16xi32>
    %swap3A_1066 = arith.constant 3 : i32
    %swap3A_1067 = arith.index_cast %swap3A_1066 : i32 to index
    %swap3A_1068 = arith.constant 64 : index
    %swap3A_1069 = tpu.vector_load %arg6[%swap3A_1067, %swap3A_1068] {strides = array<i32>} : memref<4x128xi32, #tpu.memory_space<vmem>>, vector<1x16xi32>,
    %swap3A_1070 = vector.shape_cast %swap3A_1069 : vector<1x16xi32> to vector<16xi32>
    %swap3A_1071 = vector.shape_cast %add3A_1065 : vector<16xi32> to vector<1x16xi32>
    tpu.vector_store %arg6[%swap3A_1067, %swap3A_1068], %swap3A_1071 {strides = array<i32>} : memref<4x128xi32, #tpu.memory_space<vmem>>, vector<1x16xi32>,
    %get3A_1072 = arith.constant 464 : index
    %get3A_1073 = tpu.vector_load %arg5[%get3A_1072] {strides = array<i32>} : memref<512xi32, #tpu.memory_space<vmem>>, vector<16xi32>,
    %get3A_1074 = vector.shape_cast %get3A_1073 : vector<16xi32> to vector<16xi32>
    %add3A_1075 = arith.constant 464 : i32
    %add3A_1076 = arith.addi %mul3A_2, %add3A_1075 : i32
    %add3A_1077 = vector.broadcast %add3A_1076 : i32 to vector<16xi32>
    %add3A_1078 = arith.addi %add3A_1077, %iota3A : vector<16xi32>
    %shift_right_arithmetic3A_1079 = arith.constant 3 : i32
    %shift_right_arithmetic3A_1080 = vector.broadcast %shift_right_arithmetic3A_1079 : i32 to vector<16xi32>
    %shift_right_arithmetic3A_1081 = arith.shrsi %get3A_1074, %shift_right_arithmetic3A_1080 : vector<16xi32>
    %mul3A_1082 = arith.constant 131072 : i32
    %mul3A_1083 = vector.broadcast %mul3A_1082 : i32 to vector<16xi32>
    %mul3A_1084 = arith.muli %shift_right_arithmetic3A_1081, %mul3A_1083 : vector<16xi32>
    %shift_right_arithmetic3A_1085 = arith.constant 7 : i32
    %shift_right_arithmetic3A_1086 = vector.broadcast %shift_right_arithmetic3A_1085 : i32 to vector<16xi32>
    %shift_right_arithmetic3A_1087 = arith.shrsi %add3A_1078, %shift_right_arithmetic3A_1086 : vector<16xi32>
    %mul3A_1088 = arith.constant 1024 : i32
    %mul3A_1089 = vector.broadcast %mul3A_1088 : i32 to vector<16xi32>
    %mul3A_1090 = arith.muli %shift_right_arithmetic3A_1087, %mul3A_1089 : vector<16xi32>
    %add3A_1091 = arith.addi %mul3A_1084, %mul3A_1090 : vector<16xi32>
    %and3A_1092 = arith.constant 7 : i32
    %and3A_1093 = vector.broadcast %and3A_1092 : i32 to vector<16xi32>
    %and3A_1094 = arith.andi %get3A_1074, %and3A_1093 : vector<16xi32>
    %mul3A_1095 = arith.constant 128 : i32
    %mul3A_1096 = vector.broadcast %mul3A_1095 : i32 to vector<16xi32>
    %mul3A_1097 = arith.muli %and3A_1094, %mul3A_1096 : vector<16xi32>
    %add3A_1098 = arith.addi %add3A_1091, %mul3A_1097 : vector<16xi32>
    %and3A_1099 = arith.constant 127 : i32
    %and3A_1100 = vector.broadcast %and3A_1099 : i32 to vector<16xi32>
    %and3A_1101 = arith.andi %add3A_1078, %and3A_1100 : vector<16xi32>
    %add3A_1102 = arith.addi %add3A_1098, %and3A_1101 : vector<16xi32>
    %swap3A_1103 = arith.constant 3 : i32
    %swap3A_1104 = arith.index_cast %swap3A_1103 : i32 to index
    %swap3A_1105 = arith.constant 80 : index
    %swap3A_1106 = tpu.vector_load %arg6[%swap3A_1104, %swap3A_1105] {strides = array<i32>} : memref<4x128xi32, #tpu.memory_space<vmem>>, vector<1x16xi32>,
    %swap3A_1107 = vector.shape_cast %swap3A_1106 : vector<1x16xi32> to vector<16xi32>
    %swap3A_1108 = vector.shape_cast %add3A_1102 : vector<16xi32> to vector<1x16xi32>
    tpu.vector_store %arg6[%swap3A_1104, %swap3A_1105], %swap3A_1108 {strides = array<i32>} : memref<4x128xi32, #tpu.memory_space<vmem>>, vector<1x16xi32>,
    %get3A_1109 = arith.constant 480 : index
    %get3A_1110 = tpu.vector_load %arg5[%get3A_1109] {strides = array<i32>} : memref<512xi32, #tpu.memory_space<vmem>>, vector<16xi32>,
    %get3A_1111 = vector.shape_cast %get3A_1110 : vector<16xi32> to vector<16xi32>
    %add3A_1112 = arith.constant 480 : i32
    %add3A_1113 = arith.addi %mul3A_2, %add3A_1112 : i32
    %add3A_1114 = vector.broadcast %add3A_1113 : i32 to vector<16xi32>
    %add3A_1115 = arith.addi %add3A_1114, %iota3A : vector<16xi32>
    %shift_right_arithmetic3A_1116 = arith.constant 3 : i32
    %shift_right_arithmetic3A_1117 = vector.broadcast %shift_right_arithmetic3A_1116 : i32 to vector<16xi32>
    %shift_right_arithmetic3A_1118 = arith.shrsi %get3A_1111, %shift_right_arithmetic3A_1117 : vector<16xi32>
    %mul3A_1119 = arith.constant 131072 : i32
    %mul3A_1120 = vector.broadcast %mul3A_1119 : i32 to vector<16xi32>
    %mul3A_1121 = arith.muli %shift_right_arithmetic3A_1118, %mul3A_1120 : vector<16xi32>
    %shift_right_arithmetic3A_1122 = arith.constant 7 : i32
    %shift_right_arithmetic3A_1123 = vector.broadcast %shift_right_arithmetic3A_1122 : i32 to vector<16xi32>
    %shift_right_arithmetic3A_1124 = arith.shrsi %add3A_1115, %shift_right_arithmetic3A_1123 : vector<16xi32>
    %mul3A_1125 = arith.constant 1024 : i32
    %mul3A_1126 = vector.broadcast %mul3A_1125 : i32 to vector<16xi32>
    %mul3A_1127 = arith.muli %shift_right_arithmetic3A_1124, %mul3A_1126 : vector<16xi32>
    %add3A_1128 = arith.addi %mul3A_1121, %mul3A_1127 : vector<16xi32>
    %and3A_1129 = arith.constant 7 : i32
    %and3A_1130 = vector.broadcast %and3A_1129 : i32 to vector<16xi32>
    %and3A_1131 = arith.andi %get3A_1111, %and3A_1130 : vector<16xi32>
    %mul3A_1132 = arith.constant 128 : i32
    %mul3A_1133 = vector.broadcast %mul3A_1132 : i32 to vector<16xi32>
    %mul3A_1134 = arith.muli %and3A_1131, %mul3A_1133 : vector<16xi32>
    %add3A_1135 = arith.addi %add3A_1128, %mul3A_1134 : vector<16xi32>
    %and3A_1136 = arith.constant 127 : i32
    %and3A_1137 = vector.broadcast %and3A_1136 : i32 to vector<16xi32>
    %and3A_1138 = arith.andi %add3A_1115, %and3A_1137 : vector<16xi32>
    %add3A_1139 = arith.addi %add3A_1135, %and3A_1138 : vector<16xi32>
    %swap3A_1140 = arith.constant 3 : i32
    %swap3A_1141 = arith.index_cast %swap3A_1140 : i32 to index
    %swap3A_1142 = arith.constant 96 : index
    %swap3A_1143 = tpu.vector_load %arg6[%swap3A_1141, %swap3A_1142] {strides = array<i32>} : memref<4x128xi32, #tpu.memory_space<vmem>>, vector<1x16xi32>,
    %swap3A_1144 = vector.shape_cast %swap3A_1143 : vector<1x16xi32> to vector<16xi32>
    %swap3A_1145 = vector.shape_cast %add3A_1139 : vector<16xi32> to vector<1x16xi32>
    tpu.vector_store %arg6[%swap3A_1141, %swap3A_1142], %swap3A_1145 {strides = array<i32>} : memref<4x128xi32, #tpu.memory_space<vmem>>, vector<1x16xi32>,
    %get3A_1146 = arith.constant 496 : index
    %get3A_1147 = tpu.vector_load %arg5[%get3A_1146] {strides = array<i32>} : memref<512xi32, #tpu.memory_space<vmem>>, vector<16xi32>,
    %get3A_1148 = vector.shape_cast %get3A_1147 : vector<16xi32> to vector<16xi32>
    %add3A_1149 = arith.constant 496 : i32
    %add3A_1150 = arith.addi %mul3A_2, %add3A_1149 : i32
    %add3A_1151 = vector.broadcast %add3A_1150 : i32 to vector<16xi32>
    %add3A_1152 = arith.addi %add3A_1151, %iota3A : vector<16xi32>
    %shift_right_arithmetic3A_1153 = arith.constant 3 : i32
    %shift_right_arithmetic3A_1154 = vector.broadcast %shift_right_arithmetic3A_1153 : i32 to vector<16xi32>
    %shift_right_arithmetic3A_1155 = arith.shrsi %get3A_1148, %shift_right_arithmetic3A_1154 : vector<16xi32>
    %mul3A_1156 = arith.constant 131072 : i32
    %mul3A_1157 = vector.broadcast %mul3A_1156 : i32 to vector<16xi32>
    %mul3A_1158 = arith.muli %shift_right_arithmetic3A_1155, %mul3A_1157 : vector<16xi32>
    %shift_right_arithmetic3A_1159 = arith.constant 7 : i32
    %shift_right_arithmetic3A_1160 = vector.broadcast %shift_right_arithmetic3A_1159 : i32 to vector<16xi32>
    %shift_right_arithmetic3A_1161 = arith.shrsi %add3A_1152, %shift_right_arithmetic3A_1160 : vector<16xi32>
    %mul3A_1162 = arith.constant 1024 : i32
    %mul3A_1163 = vector.broadcast %mul3A_1162 : i32 to vector<16xi32>
    %mul3A_1164 = arith.muli %shift_right_arithmetic3A_1161, %mul3A_1163 : vector<16xi32>
    %add3A_1165 = arith.addi %mul3A_1158, %mul3A_1164 : vector<16xi32>
    %and3A_1166 = arith.constant 7 : i32
    %and3A_1167 = vector.broadcast %and3A_1166 : i32 to vector<16xi32>
    %and3A_1168 = arith.andi %get3A_1148, %and3A_1167 : vector<16xi32>
    %mul3A_1169 = arith.constant 128 : i32
    %mul3A_1170 = vector.broadcast %mul3A_1169 : i32 to vector<16xi32>
    %mul3A_1171 = arith.muli %and3A_1168, %mul3A_1170 : vector<16xi32>
    %add3A_1172 = arith.addi %add3A_1165, %mul3A_1171 : vector<16xi32>
    %and3A_1173 = arith.constant 127 : i32
    %and3A_1174 = vector.broadcast %and3A_1173 : i32 to vector<16xi32>
    %and3A_1175 = arith.andi %add3A_1152, %and3A_1174 : vector<16xi32>
    %add3A_1176 = arith.addi %add3A_1172, %and3A_1175 : vector<16xi32>
    %swap3A_1177 = arith.constant 3 : i32
    %swap3A_1178 = arith.index_cast %swap3A_1177 : i32 to index
    %swap3A_1179 = arith.constant 112 : index
    %swap3A_1180 = tpu.vector_load %arg6[%swap3A_1178, %swap3A_1179] {strides = array<i32>} : memref<4x128xi32, #tpu.memory_space<vmem>>, vector<1x16xi32>,
    %swap3A_1181 = vector.shape_cast %swap3A_1180 : vector<1x16xi32> to vector<16xi32>
    %swap3A_1182 = vector.shape_cast %add3A_1176 : vector<16xi32> to vector<1x16xi32>
    tpu.vector_store %arg6[%swap3A_1178, %swap3A_1179], %swap3A_1182 {strides = array<i32>} : memref<4x128xi32, #tpu.memory_space<vmem>>, vector<1x16xi32>,
    %dma_start3A = arith.constant 0 : i32
    %dma_start3A_1183 = arith.constant 0 : i32
    %dma_start3A_1184 = tpu.memref_slice %arg7[%dma_start3A_1183] : memref<512xf32, #tpu.memory_space<vmem>> -> memref<128xf32, #tpu.memory_space<vmem>>
    %dma_start3A_1185 = arith.constant 0 : i32
    %dma_start3A_1186 = tpu.memref_slice %arg6[%dma_start3A, %dma_start3A_1185] : memref<4x128xi32, #tpu.memory_space<vmem>> -> memref<1x128xi32, #tpu.memory_space<vmem>>
    %dma_start3A_1187 = tpu.memref_squeeze %dma_start3A_1186 : memref<1x128xi32, #tpu.memory_space<vmem>> -> memref<128xi32, #tpu.memory_space<vmem>>
    %dma_start3A_1188 = arith.constant 0 : i32
    %dma_start3A_1189 = tpu.memref_slice %arg2[%dma_start3A_1188] : memref<16384000xf32, #tpu.memory_space<hbm>> -> memref<16384000xf32, #tpu.memory_space<hbm>>
    tpu.enqueue_indirect_dma source(%dma_start3A_1189 : memref<16384000xf32, #tpu.memory_space<hbm>>) target(%dma_start3A_1184 : memref<128xf32, #tpu.memory_space<vmem>>) offsets(%dma_start3A_1187 : memref<128xi32, #tpu.memory_space<vmem>>) semaphore(%arg8 : memref<!tpu.dma_semaphore, #tpu.memory_space<semaphore_mem>>)
    %dma_start3A_1190 = arith.constant 1 : i32
    %dma_start3A_1191 = arith.constant 128 : i32
    %dma_start3A_1192 = tpu.memref_slice %arg7[%dma_start3A_1191] : memref<512xf32, #tpu.memory_space<vmem>> -> memref<128xf32, #tpu.memory_space<vmem>>
    %dma_start3A_1193 = arith.constant 0 : i32
    %dma_start3A_1194 = tpu.memref_slice %arg6[%dma_start3A_1190, %dma_start3A_1193] : memref<4x128xi32, #tpu.memory_space<vmem>> -> memref<1x128xi32, #tpu.memory_space<vmem>>
    %dma_start3A_1195 = tpu.memref_squeeze %dma_start3A_1194 : memref<1x128xi32, #tpu.memory_space<vmem>> -> memref<128xi32, #tpu.memory_space<vmem>>
    %dma_start3A_1196 = arith.constant 0 : i32
    %dma_start3A_1197 = tpu.memref_slice %arg2[%dma_start3A_1196] : memref<16384000xf32, #tpu.memory_space<hbm>> -> memref<16384000xf32, #tpu.memory_space<hbm>>
    tpu.enqueue_indirect_dma source(%dma_start3A_1197 : memref<16384000xf32, #tpu.memory_space<hbm>>) target(%dma_start3A_1192 : memref<128xf32, #tpu.memory_space<vmem>>) offsets(%dma_start3A_1195 : memref<128xi32, #tpu.memory_space<vmem>>) semaphore(%arg8 : memref<!tpu.dma_semaphore, #tpu.memory_space<semaphore_mem>>)
    %dma_start3A_1198 = arith.constant 2 : i32
    %dma_start3A_1199 = arith.constant 256 : i32
    %dma_start3A_1200 = tpu.memref_slice %arg7[%dma_start3A_1199] : memref<512xf32, #tpu.memory_space<vmem>> -> memref<128xf32, #tpu.memory_space<vmem>>
    %dma_start3A_1201 = arith.constant 0 : i32
    %dma_start3A_1202 = tpu.memref_slice %arg6[%dma_start3A_1198, %dma_start3A_1201] : memref<4x128xi32, #tpu.memory_space<vmem>> -> memref<1x128xi32, #tpu.memory_space<vmem>>
    %dma_start3A_1203 = tpu.memref_squeeze %dma_start3A_1202 : memref<1x128xi32, #tpu.memory_space<vmem>> -> memref<128xi32, #tpu.memory_space<vmem>>
    %dma_start3A_1204 = arith.constant 0 : i32
    %dma_start3A_1205 = tpu.memref_slice %arg2[%dma_start3A_1204] : memref<16384000xf32, #tpu.memory_space<hbm>> -> memref<16384000xf32, #tpu.memory_space<hbm>>
    tpu.enqueue_indirect_dma source(%dma_start3A_1205 : memref<16384000xf32, #tpu.memory_space<hbm>>) target(%dma_start3A_1200 : memref<128xf32, #tpu.memory_space<vmem>>) offsets(%dma_start3A_1203 : memref<128xi32, #tpu.memory_space<vmem>>) semaphore(%arg8 : memref<!tpu.dma_semaphore, #tpu.memory_space<semaphore_mem>>)
    %dma_start3A_1206 = arith.constant 3 : i32
    %dma_start3A_1207 = arith.constant 384 : i32
    %dma_start3A_1208 = tpu.memref_slice %arg7[%dma_start3A_1207] : memref<512xf32, #tpu.memory_space<vmem>> -> memref<128xf32, #tpu.memory_space<vmem>>
    %dma_start3A_1209 = arith.constant 0 : i32
    %dma_start3A_1210 = tpu.memref_slice %arg6[%dma_start3A_1206, %dma_start3A_1209] : memref<4x128xi32, #tpu.memory_space<vmem>> -> memref<1x128xi32, #tpu.memory_space<vmem>>
    %dma_start3A_1211 = tpu.memref_squeeze %dma_start3A_1210 : memref<1x128xi32, #tpu.memory_space<vmem>> -> memref<128xi32, #tpu.memory_space<vmem>>
    %dma_start3A_1212 = arith.constant 0 : i32
    %dma_start3A_1213 = tpu.memref_slice %arg2[%dma_start3A_1212] : memref<16384000xf32, #tpu.memory_space<hbm>> -> memref<16384000xf32, #tpu.memory_space<hbm>>
    tpu.enqueue_indirect_dma source(%dma_start3A_1213 : memref<16384000xf32, #tpu.memory_space<hbm>>) target(%dma_start3A_1208 : memref<128xf32, #tpu.memory_space<vmem>>) offsets(%dma_start3A_1211 : memref<128xi32, #tpu.memory_space<vmem>>) semaphore(%arg8 : memref<!tpu.dma_semaphore, #tpu.memory_space<semaphore_mem>>)
    %dma_wait3A = arith.constant 0 : i32
    %dma_wait3A_1214 = arith.constant 0 : i32
    %dma_wait3A_1215 = tpu.memref_slice %arg7[%dma_wait3A_1214] : memref<512xf32, #tpu.memory_space<vmem>> -> memref<128xf32, #tpu.memory_space<vmem>>
    %dma_wait3A_1216 = arith.constant 0 : i32
    %dma_wait3A_1217 = tpu.memref_slice %arg6[%dma_wait3A, %dma_wait3A_1216] : memref<4x128xi32, #tpu.memory_space<vmem>> -> memref<1x128xi32, #tpu.memory_space<vmem>>
    %dma_wait3A_1218 = tpu.memref_squeeze %dma_wait3A_1217 : memref<1x128xi32, #tpu.memory_space<vmem>> -> memref<128xi32, #tpu.memory_space<vmem>>
    %dma_wait3A_1219 = arith.constant 0 : i32
    %dma_wait3A_1220 = tpu.memref_slice %arg2[%dma_wait3A_1219] : memref<16384000xf32, #tpu.memory_space<hbm>> -> memref<16384000xf32, #tpu.memory_space<hbm>>
    tpu.wait_indirect_dma semaphore(%arg8 : memref<!tpu.dma_semaphore, #tpu.memory_space<semaphore_mem>>) src(%dma_wait3A_1220 : memref<16384000xf32, #tpu.memory_space<hbm>>) dst(%dma_wait3A_1215 : memref<128xf32, #tpu.memory_space<vmem>>)
    %dma_wait3A_1221 = arith.constant 1 : i32
    %dma_wait3A_1222 = arith.constant 128 : i32
    %dma_wait3A_1223 = tpu.memref_slice %arg7[%dma_wait3A_1222] : memref<512xf32, #tpu.memory_space<vmem>> -> memref<128xf32, #tpu.memory_space<vmem>>
    %dma_wait3A_1224 = arith.constant 0 : i32
    %dma_wait3A_1225 = tpu.memref_slice %arg6[%dma_wait3A_1221, %dma_wait3A_1224] : memref<4x128xi32, #tpu.memory_space<vmem>> -> memref<1x128xi32, #tpu.memory_space<vmem>>
    %dma_wait3A_1226 = tpu.memref_squeeze %dma_wait3A_1225 : memref<1x128xi32, #tpu.memory_space<vmem>> -> memref<128xi32, #tpu.memory_space<vmem>>
    %dma_wait3A_1227 = arith.constant 0 : i32
    %dma_wait3A_1228 = tpu.memref_slice %arg2[%dma_wait3A_1227] : memref<16384000xf32, #tpu.memory_space<hbm>> -> memref<16384000xf32, #tpu.memory_space<hbm>>
    tpu.wait_indirect_dma semaphore(%arg8 : memref<!tpu.dma_semaphore, #tpu.memory_space<semaphore_mem>>) src(%dma_wait3A_1228 : memref<16384000xf32, #tpu.memory_space<hbm>>) dst(%dma_wait3A_1223 : memref<128xf32, #tpu.memory_space<vmem>>)
    %dma_wait3A_1229 = arith.constant 2 : i32
    %dma_wait3A_1230 = arith.constant 256 : i32
    %dma_wait3A_1231 = tpu.memref_slice %arg7[%dma_wait3A_1230] : memref<512xf32, #tpu.memory_space<vmem>> -> memref<128xf32, #tpu.memory_space<vmem>>
    %dma_wait3A_1232 = arith.constant 0 : i32
    %dma_wait3A_1233 = tpu.memref_slice %arg6[%dma_wait3A_1229, %dma_wait3A_1232] : memref<4x128xi32, #tpu.memory_space<vmem>> -> memref<1x128xi32, #tpu.memory_space<vmem>>
    %dma_wait3A_1234 = tpu.memref_squeeze %dma_wait3A_1233 : memref<1x128xi32, #tpu.memory_space<vmem>> -> memref<128xi32, #tpu.memory_space<vmem>>
    %dma_wait3A_1235 = arith.constant 0 : i32
    %dma_wait3A_1236 = tpu.memref_slice %arg2[%dma_wait3A_1235] : memref<16384000xf32, #tpu.memory_space<hbm>> -> memref<16384000xf32, #tpu.memory_space<hbm>>
    tpu.wait_indirect_dma semaphore(%arg8 : memref<!tpu.dma_semaphore, #tpu.memory_space<semaphore_mem>>) src(%dma_wait3A_1236 : memref<16384000xf32, #tpu.memory_space<hbm>>) dst(%dma_wait3A_1231 : memref<128xf32, #tpu.memory_space<vmem>>)
    %dma_wait3A_1237 = arith.constant 3 : i32
    %dma_wait3A_1238 = arith.constant 384 : i32
    %dma_wait3A_1239 = tpu.memref_slice %arg7[%dma_wait3A_1238] : memref<512xf32, #tpu.memory_space<vmem>> -> memref<128xf32, #tpu.memory_space<vmem>>
    %dma_wait3A_1240 = arith.constant 0 : i32
    %dma_wait3A_1241 = tpu.memref_slice %arg6[%dma_wait3A_1237, %dma_wait3A_1240] : memref<4x128xi32, #tpu.memory_space<vmem>> -> memref<1x128xi32, #tpu.memory_space<vmem>>
    %dma_wait3A_1242 = tpu.memref_squeeze %dma_wait3A_1241 : memref<1x128xi32, #tpu.memory_space<vmem>> -> memref<128xi32, #tpu.memory_space<vmem>>
    %dma_wait3A_1243 = arith.constant 0 : i32
    %dma_wait3A_1244 = tpu.memref_slice %arg2[%dma_wait3A_1243] : memref<16384000xf32, #tpu.memory_space<hbm>> -> memref<16384000xf32, #tpu.memory_space<hbm>>
    tpu.wait_indirect_dma semaphore(%arg8 : memref<!tpu.dma_semaphore, #tpu.memory_space<semaphore_mem>>) src(%dma_wait3A_1244 : memref<16384000xf32, #tpu.memory_space<hbm>>) dst(%dma_wait3A_1239 : memref<128xf32, #tpu.memory_space<vmem>>)
    "tpu.region"() ({
      %run_scoped3A = tpu.sem_alloc : memref<!tpu.dma_semaphore, #tpu.memory_space<semaphore_mem>>
      %dma_start3A_1245 = tpu.memref_slice %arg4[%mul3A_2] : memref<16384xf32, #tpu.memory_space<hbm>> -> memref<512xf32, #tpu.memory_space<hbm>>
      %dma_start3A_1246 = tpu.memref_slice %arg4[%mul3A_2] : memref<16384xf32, #tpu.memory_space<hbm>> -> memref<512xf32, #tpu.memory_space<hbm>>
      tpu.enqueue_dma source(%arg7 : memref<512xf32, #tpu.memory_space<vmem>>) target(%dma_start3A_1246 : memref<512xf32, #tpu.memory_space<hbm>>) target_semaphore(%run_scoped3A : memref<!tpu.dma_semaphore, #tpu.memory_space<semaphore_mem>>)
      %dma_wait3A_1247 = tpu.memref_slice %arg4[%mul3A_2] : memref<16384xf32, #tpu.memory_space<hbm>> -> memref<512xf32, #tpu.memory_space<hbm>>
      %dma_wait3A_1248 = tpu.memref_slice %arg4[%mul3A_2] : memref<16384xf32, #tpu.memory_space<hbm>> -> memref<512xf32, #tpu.memory_space<hbm>>
      tpu.wait_dma2 semaphore(%run_scoped3A : memref<!tpu.dma_semaphore, #tpu.memory_space<semaphore_mem>>) src(%arg7 : memref<512xf32, #tpu.memory_space<vmem>>) dst(%dma_wait3A_1248 : memref<512xf32, #tpu.memory_space<hbm>>)
      tpu.yield
    }) : () -> ()
    return
  }
}

#map = affine_map<(d0, d1) -> (0)>
module attributes {stable_mosaic.version = 14 : i64} {
  func.func @xcopy_k(%arg0: i32, %arg1: i32, %arg2: memref<16384000xf32, #tpu.memory_space<hbm>>, %arg3: memref<16384000xf32, #tpu.memory_space<hbm>>, %arg4: memref<64000xf32, #tpu.memory_space<vmem>>, %arg5: memref<64000xf32, #tpu.memory_space<vmem>>, %arg6: memref<!tpu.dma_semaphore, #tpu.memory_space<semaphore_mem>>, %arg7: memref<!tpu.dma_semaphore, #tpu.memory_space<semaphore_mem>>, %arg8: memref<!tpu.dma_semaphore, #tpu.memory_space<semaphore_mem>>, %arg9: memref<!tpu.dma_semaphore, #tpu.memory_space<semaphore_mem>>) attributes {dimension_semantics = [#tpu.dimension_semantics<core_parallel>, #tpu.dimension_semantics<subcore_parallel>], iteration_bounds = array<i64: 2, 16>, scalar_prefetch = 0 : i64, scratch_operands = 6 : i64, tpu.core_type = #tpu.core_type<sc_vector_subcore>, window_params = [{transform_indices = #map}, {transform_indices = #map}]} {
    %mul3A = arith.constant 2 : i32
    %mul3A_0 = arith.muli %arg1, %mul3A : i32
    %add3A = arith.addi %mul3A_0, %arg0 : i32
    %mul3A_1 = arith.constant 512000 : i32
    %mul3A_2 = arith.muli %add3A, %mul3A_1 : i32
    %add3A_3 = arith.constant 0 : i32
    %add3A_4 = arith.addi %mul3A_2, %add3A_3 : i32
    %dma_start3A = tpu.memref_slice %arg2[%add3A_4] : memref<16384000xf32, #tpu.memory_space<hbm>> -> memref<64000xf32, #tpu.memory_space<hbm>>
    %dma_start3A_5 = tpu.memref_slice %arg2[%add3A_4] : memref<16384000xf32, #tpu.memory_space<hbm>> -> memref<64000xf32, #tpu.memory_space<hbm>>
    tpu.enqueue_dma source(%dma_start3A_5 : memref<64000xf32, #tpu.memory_space<hbm>>) target(%arg4 : memref<64000xf32, #tpu.memory_space<vmem>>) target_semaphore(%arg6 : memref<!tpu.dma_semaphore, #tpu.memory_space<semaphore_mem>>)
    %add3A_6 = arith.constant 64000 : i32
    %add3A_7 = arith.addi %mul3A_2, %add3A_6 : i32
    %dma_start3A_8 = tpu.memref_slice %arg2[%add3A_7] : memref<16384000xf32, #tpu.memory_space<hbm>> -> memref<64000xf32, #tpu.memory_space<hbm>>
    %dma_start3A_9 = tpu.memref_slice %arg2[%add3A_7] : memref<16384000xf32, #tpu.memory_space<hbm>> -> memref<64000xf32, #tpu.memory_space<hbm>>
    tpu.enqueue_dma source(%dma_start3A_9 : memref<64000xf32, #tpu.memory_space<hbm>>) target(%arg5 : memref<64000xf32, #tpu.memory_space<vmem>>) target_semaphore(%arg7 : memref<!tpu.dma_semaphore, #tpu.memory_space<semaphore_mem>>)
    %dma_wait3A = tpu.memref_slice %arg2[%add3A_4] : memref<16384000xf32, #tpu.memory_space<hbm>> -> memref<64000xf32, #tpu.memory_space<hbm>>
    %dma_wait3A_10 = tpu.memref_slice %arg2[%add3A_4] : memref<16384000xf32, #tpu.memory_space<hbm>> -> memref<64000xf32, #tpu.memory_space<hbm>>
    tpu.wait_dma2 semaphore(%arg6 : memref<!tpu.dma_semaphore, #tpu.memory_space<semaphore_mem>>) src(%dma_wait3A_10 : memref<64000xf32, #tpu.memory_space<hbm>>) dst(%arg4 : memref<64000xf32, #tpu.memory_space<vmem>>)
    %add3A_11 = arith.constant 0 : i32
    %add3A_12 = arith.addi %mul3A_2, %add3A_11 : i32
    %dma_start3A_13 = tpu.memref_slice %arg3[%add3A_12] : memref<16384000xf32, #tpu.memory_space<hbm>> -> memref<64000xf32, #tpu.memory_space<hbm>>
    %dma_start3A_14 = tpu.memref_slice %arg3[%add3A_12] : memref<16384000xf32, #tpu.memory_space<hbm>> -> memref<64000xf32, #tpu.memory_space<hbm>>
    tpu.enqueue_dma source(%arg4 : memref<64000xf32, #tpu.memory_space<vmem>>) target(%dma_start3A_14 : memref<64000xf32, #tpu.memory_space<hbm>>) target_semaphore(%arg8 : memref<!tpu.dma_semaphore, #tpu.memory_space<semaphore_mem>>)
    %dma_wait3A_15 = tpu.memref_slice %arg3[%add3A_12] : memref<16384000xf32, #tpu.memory_space<hbm>> -> memref<64000xf32, #tpu.memory_space<hbm>>
    %dma_wait3A_16 = tpu.memref_slice %arg3[%add3A_12] : memref<16384000xf32, #tpu.memory_space<hbm>> -> memref<64000xf32, #tpu.memory_space<hbm>>
    tpu.wait_dma2 semaphore(%arg8 : memref<!tpu.dma_semaphore, #tpu.memory_space<semaphore_mem>>) src(%arg4 : memref<64000xf32, #tpu.memory_space<vmem>>) dst(%dma_wait3A_16 : memref<64000xf32, #tpu.memory_space<hbm>>)
    %add3A_17 = arith.constant 128000 : i32
    %add3A_18 = arith.addi %mul3A_2, %add3A_17 : i32
    %dma_start3A_19 = tpu.memref_slice %arg2[%add3A_18] : memref<16384000xf32, #tpu.memory_space<hbm>> -> memref<64000xf32, #tpu.memory_space<hbm>>
    %dma_start3A_20 = tpu.memref_slice %arg2[%add3A_18] : memref<16384000xf32, #tpu.memory_space<hbm>> -> memref<64000xf32, #tpu.memory_space<hbm>>
    tpu.enqueue_dma source(%dma_start3A_20 : memref<64000xf32, #tpu.memory_space<hbm>>) target(%arg4 : memref<64000xf32, #tpu.memory_space<vmem>>) target_semaphore(%arg6 : memref<!tpu.dma_semaphore, #tpu.memory_space<semaphore_mem>>)
    %dma_wait3A_21 = tpu.memref_slice %arg2[%add3A_7] : memref<16384000xf32, #tpu.memory_space<hbm>> -> memref<64000xf32, #tpu.memory_space<hbm>>
    %dma_wait3A_22 = tpu.memref_slice %arg2[%add3A_7] : memref<16384000xf32, #tpu.memory_space<hbm>> -> memref<64000xf32, #tpu.memory_space<hbm>>
    tpu.wait_dma2 semaphore(%arg7 : memref<!tpu.dma_semaphore, #tpu.memory_space<semaphore_mem>>) src(%dma_wait3A_22 : memref<64000xf32, #tpu.memory_space<hbm>>) dst(%arg5 : memref<64000xf32, #tpu.memory_space<vmem>>)
    %add3A_23 = arith.constant 64000 : i32
    %add3A_24 = arith.addi %mul3A_2, %add3A_23 : i32
    %dma_start3A_25 = tpu.memref_slice %arg3[%add3A_24] : memref<16384000xf32, #tpu.memory_space<hbm>> -> memref<64000xf32, #tpu.memory_space<hbm>>
    %dma_start3A_26 = tpu.memref_slice %arg3[%add3A_24] : memref<16384000xf32, #tpu.memory_space<hbm>> -> memref<64000xf32, #tpu.memory_space<hbm>>
    tpu.enqueue_dma source(%arg5 : memref<64000xf32, #tpu.memory_space<vmem>>) target(%dma_start3A_26 : memref<64000xf32, #tpu.memory_space<hbm>>) target_semaphore(%arg9 : memref<!tpu.dma_semaphore, #tpu.memory_space<semaphore_mem>>)
    %dma_wait3A_27 = tpu.memref_slice %arg3[%add3A_24] : memref<16384000xf32, #tpu.memory_space<hbm>> -> memref<64000xf32, #tpu.memory_space<hbm>>
    %dma_wait3A_28 = tpu.memref_slice %arg3[%add3A_24] : memref<16384000xf32, #tpu.memory_space<hbm>> -> memref<64000xf32, #tpu.memory_space<hbm>>
    tpu.wait_dma2 semaphore(%arg9 : memref<!tpu.dma_semaphore, #tpu.memory_space<semaphore_mem>>) src(%arg5 : memref<64000xf32, #tpu.memory_space<vmem>>) dst(%dma_wait3A_28 : memref<64000xf32, #tpu.memory_space<hbm>>)
    %add3A_29 = arith.constant 192000 : i32
    %add3A_30 = arith.addi %mul3A_2, %add3A_29 : i32
    %dma_start3A_31 = tpu.memref_slice %arg2[%add3A_30] : memref<16384000xf32, #tpu.memory_space<hbm>> -> memref<64000xf32, #tpu.memory_space<hbm>>
    %dma_start3A_32 = tpu.memref_slice %arg2[%add3A_30] : memref<16384000xf32, #tpu.memory_space<hbm>> -> memref<64000xf32, #tpu.memory_space<hbm>>
    tpu.enqueue_dma source(%dma_start3A_32 : memref<64000xf32, #tpu.memory_space<hbm>>) target(%arg5 : memref<64000xf32, #tpu.memory_space<vmem>>) target_semaphore(%arg7 : memref<!tpu.dma_semaphore, #tpu.memory_space<semaphore_mem>>)
    %dma_wait3A_33 = tpu.memref_slice %arg2[%add3A_18] : memref<16384000xf32, #tpu.memory_space<hbm>> -> memref<64000xf32, #tpu.memory_space<hbm>>
    %dma_wait3A_34 = tpu.memref_slice %arg2[%add3A_18] : memref<16384000xf32, #tpu.memory_space<hbm>> -> memref<64000xf32, #tpu.memory_space<hbm>>
    tpu.wait_dma2 semaphore(%arg6 : memref<!tpu.dma_semaphore, #tpu.memory_space<semaphore_mem>>) src(%dma_wait3A_34 : memref<64000xf32, #tpu.memory_space<hbm>>) dst(%arg4 : memref<64000xf32, #tpu.memory_space<vmem>>)
    %add3A_35 = arith.constant 128000 : i32
    %add3A_36 = arith.addi %mul3A_2, %add3A_35 : i32
    %dma_start3A_37 = tpu.memref_slice %arg3[%add3A_36] : memref<16384000xf32, #tpu.memory_space<hbm>> -> memref<64000xf32, #tpu.memory_space<hbm>>
    %dma_start3A_38 = tpu.memref_slice %arg3[%add3A_36] : memref<16384000xf32, #tpu.memory_space<hbm>> -> memref<64000xf32, #tpu.memory_space<hbm>>
    tpu.enqueue_dma source(%arg4 : memref<64000xf32, #tpu.memory_space<vmem>>) target(%dma_start3A_38 : memref<64000xf32, #tpu.memory_space<hbm>>) target_semaphore(%arg8 : memref<!tpu.dma_semaphore, #tpu.memory_space<semaphore_mem>>)
    %dma_wait3A_39 = tpu.memref_slice %arg3[%add3A_36] : memref<16384000xf32, #tpu.memory_space<hbm>> -> memref<64000xf32, #tpu.memory_space<hbm>>
    %dma_wait3A_40 = tpu.memref_slice %arg3[%add3A_36] : memref<16384000xf32, #tpu.memory_space<hbm>> -> memref<64000xf32, #tpu.memory_space<hbm>>
    tpu.wait_dma2 semaphore(%arg8 : memref<!tpu.dma_semaphore, #tpu.memory_space<semaphore_mem>>) src(%arg4 : memref<64000xf32, #tpu.memory_space<vmem>>) dst(%dma_wait3A_40 : memref<64000xf32, #tpu.memory_space<hbm>>)
    %add3A_41 = arith.constant 256000 : i32
    %add3A_42 = arith.addi %mul3A_2, %add3A_41 : i32
    %dma_start3A_43 = tpu.memref_slice %arg2[%add3A_42] : memref<16384000xf32, #tpu.memory_space<hbm>> -> memref<64000xf32, #tpu.memory_space<hbm>>
    %dma_start3A_44 = tpu.memref_slice %arg2[%add3A_42] : memref<16384000xf32, #tpu.memory_space<hbm>> -> memref<64000xf32, #tpu.memory_space<hbm>>
    tpu.enqueue_dma source(%dma_start3A_44 : memref<64000xf32, #tpu.memory_space<hbm>>) target(%arg4 : memref<64000xf32, #tpu.memory_space<vmem>>) target_semaphore(%arg6 : memref<!tpu.dma_semaphore, #tpu.memory_space<semaphore_mem>>)
    %dma_wait3A_45 = tpu.memref_slice %arg2[%add3A_30] : memref<16384000xf32, #tpu.memory_space<hbm>> -> memref<64000xf32, #tpu.memory_space<hbm>>
    %dma_wait3A_46 = tpu.memref_slice %arg2[%add3A_30] : memref<16384000xf32, #tpu.memory_space<hbm>> -> memref<64000xf32, #tpu.memory_space<hbm>>
    tpu.wait_dma2 semaphore(%arg7 : memref<!tpu.dma_semaphore, #tpu.memory_space<semaphore_mem>>) src(%dma_wait3A_46 : memref<64000xf32, #tpu.memory_space<hbm>>) dst(%arg5 : memref<64000xf32, #tpu.memory_space<vmem>>)
    %add3A_47 = arith.constant 192000 : i32
    %add3A_48 = arith.addi %mul3A_2, %add3A_47 : i32
    %dma_start3A_49 = tpu.memref_slice %arg3[%add3A_48] : memref<16384000xf32, #tpu.memory_space<hbm>> -> memref<64000xf32, #tpu.memory_space<hbm>>
    %dma_start3A_50 = tpu.memref_slice %arg3[%add3A_48] : memref<16384000xf32, #tpu.memory_space<hbm>> -> memref<64000xf32, #tpu.memory_space<hbm>>
    tpu.enqueue_dma source(%arg5 : memref<64000xf32, #tpu.memory_space<vmem>>) target(%dma_start3A_50 : memref<64000xf32, #tpu.memory_space<hbm>>) target_semaphore(%arg9 : memref<!tpu.dma_semaphore, #tpu.memory_space<semaphore_mem>>)
    %dma_wait3A_51 = tpu.memref_slice %arg3[%add3A_48] : memref<16384000xf32, #tpu.memory_space<hbm>> -> memref<64000xf32, #tpu.memory_space<hbm>>
    %dma_wait3A_52 = tpu.memref_slice %arg3[%add3A_48] : memref<16384000xf32, #tpu.memory_space<hbm>> -> memref<64000xf32, #tpu.memory_space<hbm>>
    tpu.wait_dma2 semaphore(%arg9 : memref<!tpu.dma_semaphore, #tpu.memory_space<semaphore_mem>>) src(%arg5 : memref<64000xf32, #tpu.memory_space<vmem>>) dst(%dma_wait3A_52 : memref<64000xf32, #tpu.memory_space<hbm>>)
    %add3A_53 = arith.constant 320000 : i32
    %add3A_54 = arith.addi %mul3A_2, %add3A_53 : i32
    %dma_start3A_55 = tpu.memref_slice %arg2[%add3A_54] : memref<16384000xf32, #tpu.memory_space<hbm>> -> memref<64000xf32, #tpu.memory_space<hbm>>
    %dma_start3A_56 = tpu.memref_slice %arg2[%add3A_54] : memref<16384000xf32, #tpu.memory_space<hbm>> -> memref<64000xf32, #tpu.memory_space<hbm>>
    tpu.enqueue_dma source(%dma_start3A_56 : memref<64000xf32, #tpu.memory_space<hbm>>) target(%arg5 : memref<64000xf32, #tpu.memory_space<vmem>>) target_semaphore(%arg7 : memref<!tpu.dma_semaphore, #tpu.memory_space<semaphore_mem>>)
    %dma_wait3A_57 = tpu.memref_slice %arg2[%add3A_42] : memref<16384000xf32, #tpu.memory_space<hbm>> -> memref<64000xf32, #tpu.memory_space<hbm>>
    %dma_wait3A_58 = tpu.memref_slice %arg2[%add3A_42] : memref<16384000xf32, #tpu.memory_space<hbm>> -> memref<64000xf32, #tpu.memory_space<hbm>>
    tpu.wait_dma2 semaphore(%arg6 : memref<!tpu.dma_semaphore, #tpu.memory_space<semaphore_mem>>) src(%dma_wait3A_58 : memref<64000xf32, #tpu.memory_space<hbm>>) dst(%arg4 : memref<64000xf32, #tpu.memory_space<vmem>>)
    %add3A_59 = arith.constant 256000 : i32
    %add3A_60 = arith.addi %mul3A_2, %add3A_59 : i32
    %dma_start3A_61 = tpu.memref_slice %arg3[%add3A_60] : memref<16384000xf32, #tpu.memory_space<hbm>> -> memref<64000xf32, #tpu.memory_space<hbm>>
    %dma_start3A_62 = tpu.memref_slice %arg3[%add3A_60] : memref<16384000xf32, #tpu.memory_space<hbm>> -> memref<64000xf32, #tpu.memory_space<hbm>>
    tpu.enqueue_dma source(%arg4 : memref<64000xf32, #tpu.memory_space<vmem>>) target(%dma_start3A_62 : memref<64000xf32, #tpu.memory_space<hbm>>) target_semaphore(%arg8 : memref<!tpu.dma_semaphore, #tpu.memory_space<semaphore_mem>>)
    %dma_wait3A_63 = tpu.memref_slice %arg3[%add3A_60] : memref<16384000xf32, #tpu.memory_space<hbm>> -> memref<64000xf32, #tpu.memory_space<hbm>>
    %dma_wait3A_64 = tpu.memref_slice %arg3[%add3A_60] : memref<16384000xf32, #tpu.memory_space<hbm>> -> memref<64000xf32, #tpu.memory_space<hbm>>
    tpu.wait_dma2 semaphore(%arg8 : memref<!tpu.dma_semaphore, #tpu.memory_space<semaphore_mem>>) src(%arg4 : memref<64000xf32, #tpu.memory_space<vmem>>) dst(%dma_wait3A_64 : memref<64000xf32, #tpu.memory_space<hbm>>)
    %add3A_65 = arith.constant 384000 : i32
    %add3A_66 = arith.addi %mul3A_2, %add3A_65 : i32
    %dma_start3A_67 = tpu.memref_slice %arg2[%add3A_66] : memref<16384000xf32, #tpu.memory_space<hbm>> -> memref<64000xf32, #tpu.memory_space<hbm>>
    %dma_start3A_68 = tpu.memref_slice %arg2[%add3A_66] : memref<16384000xf32, #tpu.memory_space<hbm>> -> memref<64000xf32, #tpu.memory_space<hbm>>
    tpu.enqueue_dma source(%dma_start3A_68 : memref<64000xf32, #tpu.memory_space<hbm>>) target(%arg4 : memref<64000xf32, #tpu.memory_space<vmem>>) target_semaphore(%arg6 : memref<!tpu.dma_semaphore, #tpu.memory_space<semaphore_mem>>)
    %dma_wait3A_69 = tpu.memref_slice %arg2[%add3A_54] : memref<16384000xf32, #tpu.memory_space<hbm>> -> memref<64000xf32, #tpu.memory_space<hbm>>
    %dma_wait3A_70 = tpu.memref_slice %arg2[%add3A_54] : memref<16384000xf32, #tpu.memory_space<hbm>> -> memref<64000xf32, #tpu.memory_space<hbm>>
    tpu.wait_dma2 semaphore(%arg7 : memref<!tpu.dma_semaphore, #tpu.memory_space<semaphore_mem>>) src(%dma_wait3A_70 : memref<64000xf32, #tpu.memory_space<hbm>>) dst(%arg5 : memref<64000xf32, #tpu.memory_space<vmem>>)
    %add3A_71 = arith.constant 320000 : i32
    %add3A_72 = arith.addi %mul3A_2, %add3A_71 : i32
    %dma_start3A_73 = tpu.memref_slice %arg3[%add3A_72] : memref<16384000xf32, #tpu.memory_space<hbm>> -> memref<64000xf32, #tpu.memory_space<hbm>>
    %dma_start3A_74 = tpu.memref_slice %arg3[%add3A_72] : memref<16384000xf32, #tpu.memory_space<hbm>> -> memref<64000xf32, #tpu.memory_space<hbm>>
    tpu.enqueue_dma source(%arg5 : memref<64000xf32, #tpu.memory_space<vmem>>) target(%dma_start3A_74 : memref<64000xf32, #tpu.memory_space<hbm>>) target_semaphore(%arg9 : memref<!tpu.dma_semaphore, #tpu.memory_space<semaphore_mem>>)
    %dma_wait3A_75 = tpu.memref_slice %arg3[%add3A_72] : memref<16384000xf32, #tpu.memory_space<hbm>> -> memref<64000xf32, #tpu.memory_space<hbm>>
    %dma_wait3A_76 = tpu.memref_slice %arg3[%add3A_72] : memref<16384000xf32, #tpu.memory_space<hbm>> -> memref<64000xf32, #tpu.memory_space<hbm>>
    tpu.wait_dma2 semaphore(%arg9 : memref<!tpu.dma_semaphore, #tpu.memory_space<semaphore_mem>>) src(%arg5 : memref<64000xf32, #tpu.memory_space<vmem>>) dst(%dma_wait3A_76 : memref<64000xf32, #tpu.memory_space<hbm>>)
    %add3A_77 = arith.constant 448000 : i32
    %add3A_78 = arith.addi %mul3A_2, %add3A_77 : i32
    %dma_start3A_79 = tpu.memref_slice %arg2[%add3A_78] : memref<16384000xf32, #tpu.memory_space<hbm>> -> memref<64000xf32, #tpu.memory_space<hbm>>
    %dma_start3A_80 = tpu.memref_slice %arg2[%add3A_78] : memref<16384000xf32, #tpu.memory_space<hbm>> -> memref<64000xf32, #tpu.memory_space<hbm>>
    tpu.enqueue_dma source(%dma_start3A_80 : memref<64000xf32, #tpu.memory_space<hbm>>) target(%arg5 : memref<64000xf32, #tpu.memory_space<vmem>>) target_semaphore(%arg7 : memref<!tpu.dma_semaphore, #tpu.memory_space<semaphore_mem>>)
    %dma_wait3A_81 = tpu.memref_slice %arg2[%add3A_66] : memref<16384000xf32, #tpu.memory_space<hbm>> -> memref<64000xf32, #tpu.memory_space<hbm>>
    %dma_wait3A_82 = tpu.memref_slice %arg2[%add3A_66] : memref<16384000xf32, #tpu.memory_space<hbm>> -> memref<64000xf32, #tpu.memory_space<hbm>>
    tpu.wait_dma2 semaphore(%arg6 : memref<!tpu.dma_semaphore, #tpu.memory_space<semaphore_mem>>) src(%dma_wait3A_82 : memref<64000xf32, #tpu.memory_space<hbm>>) dst(%arg4 : memref<64000xf32, #tpu.memory_space<vmem>>)
    %add3A_83 = arith.constant 384000 : i32
    %add3A_84 = arith.addi %mul3A_2, %add3A_83 : i32
    %dma_start3A_85 = tpu.memref_slice %arg3[%add3A_84] : memref<16384000xf32, #tpu.memory_space<hbm>> -> memref<64000xf32, #tpu.memory_space<hbm>>
    %dma_start3A_86 = tpu.memref_slice %arg3[%add3A_84] : memref<16384000xf32, #tpu.memory_space<hbm>> -> memref<64000xf32, #tpu.memory_space<hbm>>
    tpu.enqueue_dma source(%arg4 : memref<64000xf32, #tpu.memory_space<vmem>>) target(%dma_start3A_86 : memref<64000xf32, #tpu.memory_space<hbm>>) target_semaphore(%arg8 : memref<!tpu.dma_semaphore, #tpu.memory_space<semaphore_mem>>)
    %dma_wait3A_87 = tpu.memref_slice %arg2[%add3A_78] : memref<16384000xf32, #tpu.memory_space<hbm>> -> memref<64000xf32, #tpu.memory_space<hbm>>
    %dma_wait3A_88 = tpu.memref_slice %arg2[%add3A_78] : memref<16384000xf32, #tpu.memory_space<hbm>> -> memref<64000xf32, #tpu.memory_space<hbm>>
    tpu.wait_dma2 semaphore(%arg7 : memref<!tpu.dma_semaphore, #tpu.memory_space<semaphore_mem>>) src(%dma_wait3A_88 : memref<64000xf32, #tpu.memory_space<hbm>>) dst(%arg5 : memref<64000xf32, #tpu.memory_space<vmem>>)
    %add3A_89 = arith.constant 448000 : i32
    %add3A_90 = arith.addi %mul3A_2, %add3A_89 : i32
    %dma_start3A_91 = tpu.memref_slice %arg3[%add3A_90] : memref<16384000xf32, #tpu.memory_space<hbm>> -> memref<64000xf32, #tpu.memory_space<hbm>>
    %dma_start3A_92 = tpu.memref_slice %arg3[%add3A_90] : memref<16384000xf32, #tpu.memory_space<hbm>> -> memref<64000xf32, #tpu.memory_space<hbm>>
    tpu.enqueue_dma source(%arg5 : memref<64000xf32, #tpu.memory_space<vmem>>) target(%dma_start3A_92 : memref<64000xf32, #tpu.memory_space<hbm>>) target_semaphore(%arg9 : memref<!tpu.dma_semaphore, #tpu.memory_space<semaphore_mem>>)
    %dma_wait3A_93 = tpu.memref_slice %arg3[%add3A_84] : memref<16384000xf32, #tpu.memory_space<hbm>> -> memref<64000xf32, #tpu.memory_space<hbm>>
    %dma_wait3A_94 = tpu.memref_slice %arg3[%add3A_84] : memref<16384000xf32, #tpu.memory_space<hbm>> -> memref<64000xf32, #tpu.memory_space<hbm>>
    tpu.wait_dma2 semaphore(%arg8 : memref<!tpu.dma_semaphore, #tpu.memory_space<semaphore_mem>>) src(%arg4 : memref<64000xf32, #tpu.memory_space<vmem>>) dst(%dma_wait3A_94 : memref<64000xf32, #tpu.memory_space<hbm>>)
    %dma_wait3A_95 = tpu.memref_slice %arg3[%add3A_90] : memref<16384000xf32, #tpu.memory_space<hbm>> -> memref<64000xf32, #tpu.memory_space<hbm>>
    %dma_wait3A_96 = tpu.memref_slice %arg3[%add3A_90] : memref<16384000xf32, #tpu.memory_space<hbm>> -> memref<64000xf32, #tpu.memory_space<hbm>>
    tpu.wait_dma2 semaphore(%arg9 : memref<!tpu.dma_semaphore, #tpu.memory_space<semaphore_mem>>) src(%arg5 : memref<64000xf32, #tpu.memory_space<vmem>>) dst(%dma_wait3A_96 : memref<64000xf32, #tpu.memory_space<hbm>>)
    return
  }
}

module attributes {stable_mosaic.version = 14 : i64} {
  func.func @body(%arg0: i32, %arg1: memref<1000x512xf32, #tpu.memory_space<vmem>>, %arg2: memref<512xf32, #tpu.memory_space<vmem>>, %arg3: memref<512xi32, #tpu.memory_space<vmem>>, %arg4: memref<1000x512xf32, #tpu.memory_space<vmem>>) attributes {dimension_semantics = [#tpu.dimension_semantics<arbitrary>], iteration_bounds = array<i64: 32>, scalar_prefetch = 0 : i64, scratch_operands = 0 : i64, tpu.core_type = #tpu.core_type<tc>, window_params = [{transform_indices = @transform_0, window_bounds = array<i64: 1000, 512>}, {transform_indices = @transform_1, window_bounds = array<i64: 512>}, {transform_indices = @transform_2, window_bounds = array<i64: 512>}, {transform_indices = @transform_3, window_bounds = array<i64: 1000, 512>}]} {
    %iota3A = tpu.iota {dimensions = array<i32: 0>} : vector<1000x512xi32>
    %get3A = arith.constant 0 : index
    %get3A_0 = arith.constant 0 : index
    %get3A_1 = vector.load %arg1[%get3A, %get3A_0] : memref<1000x512xf32, #tpu.memory_space<vmem>>, vector<1000x512xf32>
    %get3A_2 = arith.constant 0 : index
    %get3A_3 = vector.load %arg2[%get3A_2] : memref<512xf32, #tpu.memory_space<vmem>>, vector<512xf32>
    %broadcast_in_dim3A = vector.shape_cast %get3A_3 : vector<512xf32> to vector<1x512xf32>
    %sub3A = vector.broadcast %broadcast_in_dim3A : vector<1x512xf32> to vector<1000x512xf32>
    %sub3A_4 = arith.subf %get3A_1, %sub3A : vector<1000x512xf32>
    %get3A_5 = arith.constant 0 : index
    %get3A_6 = vector.load %arg3[%get3A_5] : memref<512xi32, #tpu.memory_space<vmem>>, vector<512xi32>
    %broadcast_in_dim3A_7 = vector.shape_cast %get3A_6 : vector<512xi32> to vector<1x512xi32>
    %eq3A = vector.broadcast %broadcast_in_dim3A_7 : vector<1x512xi32> to vector<1000x512xi32>
    %eq3A_8 = arith.cmpi eq, %iota3A, %eq3A : vector<1000x512xi32>
    %jit3A = arith.constant 0.000000e+00 : f32
    %broadcast_in_dim3A_9 = vector.broadcast %jit3A : f32 to vector<1000x512xf32>
    %select_n3A = arith.select %eq3A_8, %broadcast_in_dim3A_9, %sub3A_4 : vector<1000x512xi1>, vector<1000x512xf32>
    %swap3A = arith.constant 0 : index
    %swap3A_10 = arith.constant 0 : index
    %swap3A_11 = vector.load %arg4[%swap3A, %swap3A_10] : memref<1000x512xf32, #tpu.memory_space<vmem>>, vector<1000x512xf32>
    tpu.vector_store %arg4[%swap3A, %swap3A_10], %select_n3A {strides = array<i32>} : memref<1000x512xf32, #tpu.memory_space<vmem>>, vector<1000x512xf32>,
    return
  }
  func.func @transform_0(%arg0: i32) -> (i32, i32) {
    %c0_i32 = arith.constant 0 : i32
    %c0_i32_0 = arith.constant 0 : i32
    return %c0_i32, %arg0 : i32, i32
  }
  func.func @transform_1(%arg0: i32) -> i32 {
    %c0_i32 = arith.constant 0 : i32
    return %arg0 : i32
  }
  func.func @transform_2(%arg0: i32) -> i32 {
    %c0_i32 = arith.constant 0 : i32
    return %arg0 : i32
  }
  func.func @transform_3(%arg0: i32) -> (i32, i32) {
    %c0_i32 = arith.constant 0 : i32
    %c0_i32_0 = arith.constant 0 : i32
    return %c0_i32, %arg0 : i32, i32
  }
}

</mosaic_0001>

<sc_bundles>
// kernel: kernel.5.cloned.1.call-start
scs
__scs_entry_jumppad:
0x0: {  	(pc) =	sbr.rel $0x88, $3  }
0x1: {  	(tag) =	ssettag $0x0;
	lr =	simm.s32 $0x1  }
0x2: {  	[smem:$0x3F9D] =	sst lr;
	_ =	strace $0xD0000000  }
0x3: {  	_ = 	snop  }
0x4: {  	_ = 	snop  }
0x5: {  	_ = 	snop  }
0x6: {  	_ = 	snop  }
0x7: {  	_ = 	snop  }
__scs_overlays_trampoline_lowered:
0x8: {  	[smem:$0x3FAC] =	sst s0  }
0x9: {  	[smem:$0x3FAD] =	sst s1  }
0xa: {  	[smem:$0x3FAE] =	sst s2  }
0xb: {  	[smem:$0x3FAF] =	sst s3  }
0xc: {  	[smem:$0x3FB0] =	sst s4  }
0xd: {  	[smem:$0x3FB1] =	sst s5  }
0xe: {  	[smem:$0x3FB2] =	sst s6  }
0xf: {  	[smem:$0x3FB3] =	sst s7  }
0x10: {  	[smem:$0x3FB4] =	sst s8  }
0x11: {  	[smem:$0x3FB5] =	sst s9;
	s0 =	simm.s32 @!p0 $0x0  }
0x12: {  	s1 =	sld [smem:$0x3F9B];
	s0 =	simm.s32 @p0 $0x1  }
0x13: {  	[smem:$0x3FB6] =	sst s0;
	s0 =	simm.s32 @!p1 $0x0  }
0x14: {  	s2 =	sld [smem:$0x3F9A];
	s0 =	simm.s32 @p1 $0x1  }
0x15: {  	[smem:$0x3FB7] =	sst s0;
	s0 =	simm.s32 @!p2 $0x0  }
0x16: {  	s3 =	sld [smem:$0x3FDB];
	s0 =	simm.s32 @p2 $0x1  }
0x17: {  	s4 =	simm.s32 $0x1BF5;
	[smem:$0x3FB9] =	sst s0  }
0x18: {  	s0 =	sld [smem:$0x3F9C];
	_ =	swait.ge [sflag:s4], $0x0  }
0x19: {  	s7 =	sld [smem:$0x3F9D]  }
0x1a: {  	s8 =	sadd.s32 $0xFFFFE003, lr  }
0x1b: {  	s9 =	sadd.s32 $0xFFFFFEF7, lr;
	s5 =	simm.s32 $0xFFFFFFFF;
	p2 =	slt.u32 s8, $0xFFFFF086  }
0x1c: {  	p1 =	slt.u32 s9, $0xF7A;
	s5 =	simm.s32 @!p2 $0x0  }
0x1d: {  	s5 =	simm.s32 @p1 $0x1;
	p0 =	seq.s32 s7, s2  }
0x1e: {  	s7 =	smul.u32 @!p0 $0xF7A, s2;
	p2 =	seq.s32 @!p0 s5, $0x0  }
0x1f: {  	s9 =	smul.u32 $0xF7A, s1;
	s8 =	simm.s32 @!p0 $0x1BF5;
	p2 =	por !p2, p0  }
0x20: {  	[sflag:s8] =	ssyncset.s32 @!p0 $0xFFFFF086;
	s6 =	sadd.s32 @!p0 s3, s7;
	s7 =	simm.s32 @!p0 $0x108  }
0x21: {  	s3 =	sadd.s32 s3, s9;
	s6 =	sadd.s32 @!p0 $0x88, s6;
	s7 =	simm.s32 @p2 $0x1082  }
0x22: {  	[simem:s7], [sflag:s8] =	dma.local @!p0 [hbm:s6], $0xF7A  }
0x23: {  	s9 =	sor.u32 $0xD0000000, s2;
	s6 =	simm.s32 $0x108;
	_ =	swait.ge @!p0 [sflag:s8], $0x0  }
0x24: {  	s3 =	sadd.s32 $0x88, s3;
	s6 =	simm.s32 @!p1 $0x1082;
	[sflag:s4] =	ssyncset.s32 $0xFFFFF086  }
0x25: {  	[simem:s6], [sflag:s4] =	dma.local [hbm:s3], $0xF7A  }
0x26: {  	[smem:$0x3F9D] =	sst s1;
	(tag) =	ssettag s2;
	_ =	strace s9  }
0x27: {  	s1 =	sld [smem:$0x3FAD]  }
0x28: {  	s2 =	sld [smem:$0x3FAE]  }
0x29: {  	s4 =	sld [smem:$0x3FB0]  }
0x2a: {  	p0 =	seq.s32 s5, $0x0;
	s5 =	sld [smem:$0x3FB1]  }
0x2b: {  	s6 =	sld [smem:$0x3FB2]  }
0x2c: {  	s7 =	sld [smem:$0x3FB3]  }
0x2d: {  	s3 =	simm.s32 $0x108;
	s8 =	sld [smem:$0x3FB4]  }
0x2e: {  	s3 =	simm.s32 @!p0 $0x1082;
	s9 =	sld [smem:$0x3FB5]  }
0x2f: {  	lr =	sadd.s32 s0, s3;
	s0 =	sld [smem:$0x3FAC]  }
0x30: {  	s3 =	sld [smem:$0x3FAF]  }
0x31: {  	[smem:$0x3FB8] =	sst s10  }
0x32: {  	s10 =	sld [smem:$0x3FB6];
	_ =	sdelay $0x3  }
0x33: {  	p0 =	seq.s32 s10, $0x1;
	s10 =	sld [smem:$0x3FB8];
	_ =	sdelay $0x3  }
0x34: {  	[smem:$0x3FB8] =	sst s10  }
0x35: {  	s10 =	sld [smem:$0x3FB7];
	_ =	sdelay $0x3  }
0x36: {  	p1 =	seq.s32 s10, $0x1;
	s10 =	sld [smem:$0x3FB8];
	_ =	sdelay $0x3  }
0x37: {  	[smem:$0x3FB8] =	sst s10  }
0x38: {  	s10 =	sld [smem:$0x3FB9]  }
0x39: {  	_ = 	snop;
	(pc) =	sbr.ind lr, $3  }
0x3a: {  	_ = 	snop  }
0x3b: {  	_ = 	snop  }
0x3c: {  	p2 =	seq.s32 s10, $0x1;
	s10 =	sld [smem:$0x3FB8]  }
0x3d: {  	_ =	shalt  }
0x3e: {  	_ =	shalt  }
0x3f: {  	_ =	shalt  }
0x40: {  	_ =	shalt  }
0x41: {  	_ =	shalt  }
0x42: {  	_ =	shalt  }
0x43: {  	_ =	shalt  }
0x44: {  	_ =	shalt  }
0x45: {  	_ =	shalt  }
0x46: {  	_ =	shalt  }
0x47: {  	_ =	shalt  }
0x48: {  	_ =	shalt  }
0x49: {  	_ =	shalt  }
0x4a: {  	_ =	shalt  }
0x4b: {  	_ =	shalt  }
0x4c: {  	_ =	shalt  }
0x4d: {  	_ =	shalt  }
0x4e: {  	_ =	shalt  }
0x4f: {  	_ =	shalt  }
0x50: {  	_ =	shalt  }
0x51: {  	_ =	shalt  }
0x52: {  	_ =	shalt  }
0x53: {  	_ =	shalt  }
0x54: {  	_ =	shalt  }
0x55: {  	_ =	shalt  }
0x56: {  	_ =	shalt  }
0x57: {  	_ =	shalt  }
0x58: {  	_ =	shalt  }
0x59: {  	_ =	shalt  }
0x5a: {  	_ =	shalt  }
0x5b: {  	_ =	shalt  }
0x5c: {  	_ =	shalt  }
0x5d: {  	_ =	shalt  }
0x5e: {  	_ =	shalt  }
0x5f: {  	_ =	shalt  }
0x60: {  	_ =	shalt  }
0x61: {  	_ =	shalt  }
0x62: {  	_ =	shalt  }
0x63: {  	_ =	shalt  }
0x64: {  	_ =	shalt  }
0x65: {  	_ =	shalt  }
0x66: {  	_ =	shalt  }
0x67: {  	_ =	shalt  }
0x68: {  	_ =	shalt  }
0x69: {  	_ =	shalt  }
0x6a: {  	_ =	shalt  }
0x6b: {  	_ =	shalt  }
0x6c: {  	_ =	shalt  }
0x6d: {  	_ =	shalt  }
0x6e: {  	_ =	shalt  }
0x6f: {  	_ =	shalt  }
0x70: {  	_ =	shalt  }
0x71: {  	_ =	shalt  }
0x72: {  	_ =	shalt  }
0x73: {  	_ =	shalt  }
0x74: {  	_ =	shalt  }
0x75: {  	_ =	shalt  }
0x76: {  	_ =	shalt  }
0x77: {  	_ =	shalt  }
0x78: {  	_ =	shalt  }
0x79: {  	_ =	shalt  }
0x7a: {  	_ =	shalt  }
0x7b: {  	_ =	shalt  }
0x7c: {  	_ =	shalt  }
0x7d: {  	_ =	shalt  }
0x7e: {  	_ =	shalt  }
0x7f: {  	_ =	shalt  }
0x80: {  	_ =	shalt  }
0x81: {  	_ =	shalt  }
0x82: {  	_ =	shalt  }
0x83: {  	_ =	shalt  }
0x84: {  	_ =	shalt  }
0x85: {  	_ =	shalt  }
0x86: {  	_ =	shalt  }
0x87: {  	_ =	shalt  }
.Lfunc_end0:
.L_simem_size_0:
called_computation_lowered:
.L_overlay_start_0:
0x88: {  	s2 =	sld [smem:$0x3FD9]  }
0x89: {  	s3 =	sld [smem:$0x3FFE];
	_ =	sdelay $0x1  }
0x8a: {  	s1 =	srdreg.scid  }
0x8b: {  	s0 =	sand.u32 $0x1, s1  }
0x8c: {  	s15 =	sshll.u32 s0, $0xA;
	s2 =	sadd.s32 s3, s2  }
0x8d: {  	s2 =	sadd.s32 s2, s15  }
0x8e: {  	[smem:$0x3FC4] =	sst s2  }
0x8f: {  	_ = 	snop  }
0x90: {  	s2 =	sld [smem:$0x3FD0];
	_ =	sdelay $0x1  }
0x91: {  	s16 =	sld [smem:$0x3FC8]  }
0x92: {  	s5 =	simm.s32 $0xB;
	s6 =	simm.s32 $0x10;
	s4 =	sld [smem:$0x3FC6]  }
0x93: {  	[smem:s6], [sflag:s5] =	dma.local [hbm:s2], $0x1  }
0x94: {  	_ =	swait.eq [sflag:s5], $0x1  }
0x95: {  	[sflag:s5] =	ssyncset.done $0x0  }
0x96: {  	[sflag:s5] =	ssyncadd.s32 $0xFFFFFFFF  }
0x97: {  	s17 =	sld [smem:$0x11];
	(tm) =	ssettm $0x1  }
0x98: {  	s18 =	sld [smem:$0x3FFB];
	_ =	sdelay $0x3  }
0x99: {  	_ =	strace s18  }
0x9a: {  	s5 =	sld [smem:$0x3FFC];
	_ =	sdelay $0x3  }
0x9b: {  	_ =	strace s5  }
0x9c: {  	s5 =	sld [smem:$0x3FFD];
	_ =	sdelay $0x3  }
0x9d: {  	_ =	strace s5  }
0x9e: {  	_ =	strace $0x8FFFFFFF  }
0x9f: {  	s19 =	sld [smem:$0x3FDB];
	_ =	sdelay $0x1  }
0xa0: {  	s20 =	simm.s32 $_scs_section_size  }
0xa1: {  	s7 =	simm.s32 $_size__tile_overlayer_lowered;
	s8 =	simm.s32 $_tile_overlayer_lowered  }
0xa2: {  	s23 =	simm.s32 $0x1BFF;
	s22 =	sshll.u32 s8, $0x1;
	s5 =	sadd.s32 s20, s19  }
0xa3: {  	s9 =	simm.s32 $0x0;
	s21 =	sshll.u32 s7, $0x1;
	s7 =	sadd.s32 s22, s5  }
0xa4: {  	[timem:s9], [sflag:s23] =	dma.local [hbm:s7], s21  }
0xa5: {  	_ =	swait.ge [sflag:s23], s21  }
0xa6: {  	s6 =	ssub.s32 $0x0, s21;
	[sflag:s23] =	ssyncset.done $0x0  }
0xa7: {  	[sflag:s23] =	ssyncadd.s32 s6;
	_ =	sdelay $0x1  }
0xa8: {  	s24 =	simm.s32 $0x1B8B  }
0xa9: {  	_ =	swait.ge [sflag:s24], $0x1  }
0xaa: {  	[sflag:s24] =	ssyncset.done $0x0  }
0xab: {  	s25 =	simm.s32 $0x1B8E;
	[sflag:s24] =	ssyncadd.s32 $0xFFFFFFFF  }
0xac: {  	s26 =	simm.s32 $execute0_lowered;
	[smem:$0x3FD2] =	sst s25  }
0xad: {  	s6 =	sshll.u32 s26, $0x1;
	_ =	strace $0x80000046;
	[dreg:$0x1] =	wrdreg $0xFFFFFFFF  }
0xae: {  	s28 =	simm.s32 $_size_execute0_lowered;
	s5 =	sadd.s32 s5, s6;
	[dreg:$0x0] =	wrdreg $0x0  }
0xaf: {  	s6 =	sshll.u32 s28, $0x1;
	[dreg:$0x2] =	wrdreg s5  }
0xb0: {  	[dreg:$0x3] =	wrdreg s6  }
0xb1: {  	[dreg:$0x4] =	wrdreg $0xC0  }
0xb2: {  	_ =	task [dreg:s9], $0x5FFFF  }
0xb3: {  	[dreg:$0x1] =	wrdreg $0xFFFFFFFF  }
0xb4: {  	[dreg:$0x0] =	wrdreg $0x60  }
0xb5: {  	[dreg:$0x2] =	wrdreg s16  }
0xb6: {  	[dreg:$0x3] =	wrdreg s4  }
0xb7: {  	[dreg:$0x4] =	wrdreg s17  }
0xb8: {  	[dreg:$0x5] =	wrdreg $0x9  }
0xb9: {  	_ =	task.clear_ibuf [dreg:s9], $0x6FFFF;
	_ =	strace $0x90000046  }
0xba: {  	s29 =	simm.s32 $0x9;
	_ =	strace $0x80000048  }
0xbb: {  	_ =	swait.ge [sflag:s29], $0x1  }
0xbc: {  	[sflag:s29] =	ssyncadd.s32 $0xFFFFFFFF  }
0xbd: {  	_ =	strace $0x90000048  }
0xbe: {  	_ =	sfence  }
0xbf: {  	s30 =	sld [smem:$0x0];
	_ =	sdelay $0x2  }
0xc0: {  	s31 =	sshll.u32 s1, $0xD;
	s1 =	sshrl.u32 s1, $0x2  }
0xc1: {  	s3 =	sand.u32 $0x4000, s31;
	s1 =	sadd.s32 s1, s30  }
0xc2: {  	s0 =	sor.u32 s3, s0;
	s1 =	sshll.u32 s1, $0x11  }
0xc3: {  	s0 =	sor.u32 s1, s0  }
0xc4: {  	s0 =	sadd.s32 $0x8F2B, s0  }
0xc5: {  	[sflag:s0] =	ssyncadd.remote.s32 $0x1  }
0xc6: {  	_ =	sfence.sel $0xFFFF  }
0xc7: {  	[dreg:$0x0] =	wrdreg $0xFFFFFFFF;
	(pc) =	sbr.abs _section_cstart, $3  }
0xc8: {  	[dreg:$0x1] =	wrdreg $0xFFFFFFFF  }
0xc9: {  	_ =	task.clear_ibuf [dreg:s9], $0x2FFFF;
	_ =	strace $0x9FFFFFFF  }
0xca: {  	(tm) =	ssettm $0x7FFFFFFF  }
0xcb: {  	_ =	shalt  }
tec
execute0_lowered:
.L_overlay_start_1:
0x0: {  	(tag) =	ssettag $0x1  }
0x1: {  	s1 =	srdreg.scid  }
0x2: {  	s0 =	stileid.u32;
	s5 =	sand.u32 $0x1, s1  }
0x3: {  	s10 =	sshll.u32 s0, $0xA;
	s2 =	sshll.u32 s5, $0x9  }
0x4: {  	s4 =	sor.u32 s2, s10  }
0x5: {  	v0 =	vmov s4  }
0x6: {  	s1 =	sor.u32 $0x80, s4;
	s11 =	sor.u32 $0x90, s4;
	s2 =	sor.u32 $0xA0, s4;
	v0 =	vshll.u32 v0, $0x3  }
0x7: {  	s12 =	sor.u32 $0xB0, s4;
	s13 =	sor.u32 $0xC0, s4;
	s14 =	sor.u32 $0xD0, s4;
	v1 =	vmov s1;
	v3 =	vmov s11;
	v4 =	vmov s2  }
0x8: {  	s15 =	sor.u32 $0xE0, s4;
	s16 =	sor.u32 $0xF0, s4;
	s17 =	sor.u32 $0x100, s4;
	v5 =	vmov s12;
	v6 =	vmov s13;
	v7 =	vmov s14  }
0x9: {  	s18 =	sor.u32 $0x110, s4;
	s19 =	sor.u32 $0x120, s4;
	s20 =	sor.u32 $0x130, s4;
	v8 =	vmov s15;
	v9 =	vmov s16;
	v10 =	vmov s17  }
0xa: {  	s21 =	sor.u32 $0x140, s4;
	s22 =	sor.u32 $0x150, s4;
	s23 =	sor.u32 $0x160, s4;
	v11 =	vmov s18;
	v12 =	vmov s19;
	v13 =	vmov s20  }
0xb: {  	s24 =	sor.u32 $0x170, s4;
	s25 =	sor.u32 $0x180, s4;
	s26 =	sor.u32 $0x190, s4;
	v14 =	vmov s21;
	v15 =	vmov s22;
	v16 =	vmov s23  }
0xc: {  	s28 =	sor.u32 $0x1A0, s4;
	s29 =	sor.u32 $0x1B0, s4;
	s3 =	sor.u32 $0x1C0, s4;
	v17 =	vmov s24;
	v18 =	vmov s25;
	v19 =	vmov s26  }
0xd: {  	s8 =	sor.u32 $0x1D0, s4;
	s30 =	sor.u32 $0x1E0, s4;
	s9 =	sor.u32 $0x1F0, s4;
	v20 =	vmov s28;
	v21 =	vmov s29;
	v22 =	vmov s3  }
0xe: {  	v23 =	vmov s8;
	v24 =	vmov s30;
	v25 =	vmov s9  }
0xf: {  	v0 =	vbroadcast v0, $0x0;
	v1 =	vshll.u32 v1, $0x3;
	v3 =	vshll.u32 v3, $0x3  }
0x10: {  	v4 =	vshll.u32 v4, $0x3;
	v5 =	vshll.u32 v5, $0x3;
	v6 =	vshll.u32 v6, $0x3  }
0x11: {  	v7 =	vshll.u32 v7, $0x3;
	v8 =	vshll.u32 v8, $0x3;
	v9 =	vshll.u32 v9, $0x3  }
0x12: {  	v10 =	vshll.u32 v10, $0x3;
	v11 =	vshll.u32 v11, $0x3;
	v12 =	vshll.u32 v12, $0x3  }
0x13: {  	v13 =	vshll.u32 v13, $0x3;
	v14 =	vshll.u32 v14, $0x3;
	v15 =	vshll.u32 v15, $0x3  }
0x14: {  	v16 =	vshll.u32 v16, $0x3;
	v17 =	vshll.u32 v17, $0x3;
	v18 =	vshll.u32 v18, $0x3  }
0x15: {  	v19 =	vshll.u32 v19, $0x3;
	v20 =	vshll.u32 v20, $0x3;
	v21 =	vshll.u32 v21, $0x3  }
0x16: {  	v22 =	vshll.u32 v22, $0x3;
	v23 =	vshll.u32 v23, $0x3;
	v24 =	vshll.u32 v24, $0x3  }
0x17: {  	v25 =	vshll.u32 v25, $0x3;
	v2 =	vbroadcast v1, $0x0;
	v1 =	vlaneseq.u32  }
0x18: {  	v3 =	vand.u32 $0xFFFFF400, v3;
	v4 =	vand.u32 $0xFFFFF400, v4;
	v5 =	vand.u32 $0xFFFFF400, v5  }
0x19: {  	v6 =	vand.u32 $0xFFFFF400, v6;
	v7 =	vand.u32 $0xFFFFF400, v7;
	v8 =	vand.u32 $0xFFFFF400, v8  }
0x1a: {  	v9 =	vand.u32 $0xFFFFF400, v9;
	v10 =	vbroadcast v10, $0x0;
	v11 =	vand.u32 $0xFFFFF800, v11  }
0x1b: {  	v12 =	vand.u32 $0xFFFFF800, v12;
	v13 =	vand.u32 $0xFFFFF800, v13;
	v14 =	vand.u32 $0xFFFFF800, v14  }
0x1c: {  	v15 =	vand.u32 $0xFFFFF800, v15;
	v18 =	vbroadcast v18, $0x0;
	v3 =	vbroadcast v3, $0x0  }
0x1d: {  	v16 =	vand.u32 $0xFFFFF800, v16;
	v4 =	vbroadcast v4, $0x0;
	v5 =	vbroadcast v5, $0x0  }
0x1e: {  	v17 =	vand.u32 $0xFFFFF800, v17;
	v6 =	vbroadcast v6, $0x0;
	v7 =	vbroadcast v7, $0x0  }
0x1f: {  	v19 =	vand.u32 $0xFFFFFC00, v19;
	v8 =	vbroadcast v8, $0x0;
	v9 =	vbroadcast v9, $0x0  }
0x20: {  	v20 =	vand.u32 $0xFFFFFC00, v20;
	v11 =	vbroadcast v11, $0x0;
	v12 =	vbroadcast v12, $0x0  }
0x21: {  	s6 =	rddreg [dreg:$0x1];
	s5 =	ssub.s32 $0x2, s5;
	v21 =	vand.u32 $0xFFFFFC00, v21;
	v13 =	vbroadcast v13, $0x0;
	v14 =	vbroadcast v14, $0x0  }
0x22: {  	s7 =	rddreg [dreg:$0x2];
	s10 =	sshrl.u32 s5, $0x1;
	v22 =	vand.u32 $0xFFFFFC00, v22;
	v15 =	vbroadcast v15, $0x0;
	v16 =	vbroadcast v16, $0x0  }
0x23: {  	s31 =	ssub.s32 s5, s10;
	s10 =	simm.s32 $0x400;
	s1 =	rddreg [dreg:$0x0];
	v23 =	vand.u32 $0xFFFFFC00, v23;
	v17 =	vbroadcast v17, $0x0;
	v19 =	vbroadcast v19, $0x0  }
0x24: {  	s2 =	rddreg [dreg:$0x3];
	s3 =	simm.s32 $0x0;
	s11 =	sshrl.u32 s4, $0x3;
	v24 =	vand.u32 $0xFFFFFC00, v24;
	v20 =	vbroadcast v20, $0x0;
	v21 =	vbroadcast v21, $0x0  }
0x25: {  	s8 =	simm.s32 $0x80;
	s9 =	simm.s32 $0x200;
	s12 =	simm.s32 $0x480;
	v25 =	vand.u32 $0xFFFFFC00, v25;
	v22 =	vbroadcast v22, $0x0;
	v23 =	vbroadcast v23, $0x0  }
0x26: {  	s13 =	simm.s32 $0x300;
	s14 =	simm.s32 $0x500;
	s15 =	simm.s32 $0x380;
	v24 =	vbroadcast v24, $0x0;
	v25 =	vbroadcast v25, $0x0;
	v26 =	vor.u32 $0x10, v1  }
0x27: {  	s16 =	simm.s32 $0x580;
	s17 =	simm.s32 $0x1;
	[smem:$0x7FF] =	sst s3;
	v27 =	vor.u32 $0x20, v1;
	v28 =	vor.u32 $0x30, v1;
	v29 =	vor.u32 $0x40, v1  }
0x28: {  	s4 =	sadd.s32 s6, s11;
	s5 =	sadd.s32 s7, s11;
	s6 =	smax.u32 s31, $0x1;
	v30 =	vor.u32 $0x50, v1;
	v31 =	vor.u32 $0x60, v1;
	v32 =	vor.u32 $0x70, v1  }
0x29: {  	s7 =	simm.s32 $0x2;
	s11 =	simm.s32 $0x280;
	_ =	strace $0x80000047;
	v2 =	vor.u32 v1, v2;
	v10 =	vor.u32 v1, v10;
	v18 =	vor.u32 v1, v18  }
.LBB2_1:
0x2a: {  	[tilespmem:s3], [sflag:$0x2] =	stream.linear.gather [hbm4b:s4+s3], $0x200, $0x38;
	[tilespmem:$0x600] =	vst v63  }
0x2b: {  	_ =	swait.ge [sflag:s7], $0x200  }
0x2c: {  	[sflag:s7] =	ssyncset.done $0x0  }
0x2d: {  	[sflag:s7] =	ssyncadd.s32 $0xFFFFFE00  }
0x2e: {  	v33 =	vld [tilespmem:$0x0]  }
0x2f: {  	v34 =	vld [tilespmem:$0x10]  }
0x30: {  	v36 =	vld [tilespmem:$0x20]  }
0x31: {  	v38 =	vld [tilespmem:$0x30]  }
0x32: {  	v39 =	vld [tilespmem:$0x40]  }
0x33: {  	v56 =	vld [tilespmem:$0x50]  }
0x34: {  	v42 =	vld [tilespmem:$0x60]  }
0x35: {  	v61 =	vld [tilespmem:$0x70]  }
0x36: {  	v63 =	vld [tilespmem:$0x80]  }
0x37: {  	v43 =	vld [tilespmem:$0x90];
	v35 =	vshll.u32 v33, $0xE;
	v33 =	vshll.u32 v33, $0x7  }
0x38: {  	v49 =	vld [tilespmem:$0xA0];
	v37 =	vshll.u32 v34, $0xE;
	v34 =	vshll.u32 v34, $0x7;
	v55 =	vshll.u32 v36, $0xE  }
0x39: {  	v36 =	vshll.u32 v36, $0x7;
	v40 =	vshll.u32 v38, $0xE;
	v38 =	vshll.u32 v38, $0x7  }
0x3a: {  	v41 =	vshll.u32 v39, $0xE;
	v60 =	vshll.u32 v56, $0xE;
	v39 =	vshll.u32 v39, $0x7  }
0x3b: {  	v62 =	vshll.u32 v42, $0xE;
	v42 =	vshll.u32 v42, $0x7;
	v44 =	vshll.u32 v61, $0xE  }
0x3c: {  	v50 =	vshll.u32 v63, $0xE;
	v45 =	vshll.u32 v43, $0xE;
	v43 =	vshll.u32 v43, $0x7  }
0x3d: {  	v51 =	vshll.u32 v49, $0xE;
	v35 =	vand.u32 $0xFFFE0000, v35;
	v33 =	vand.u32 $0x380, v33  }
0x3e: {  	v37 =	vand.u32 $0xFFFE0000, v37;
	v53 =	vand.u32 $0x380, v34;
	v36 =	vand.u32 $0x380, v36  }
0x3f: {  	v47 =	vld [tilespmem:$0xC0];
	v57 =	vand.u32 $0xFFFE0000, v40;
	v38 =	vand.u32 $0x380, v38;
	v59 =	vand.u32 $0xFFFE0000, v41  }
0x40: {  	v39 =	vand.u32 $0x380, v39;
	v42 =	vand.u32 $0x380, v42;
	v44 =	vand.u32 $0xFFFE0000, v44  }
0x41: {  	v41 =	vshll.u32 v61, $0x7;
	v45 =	vand.u32 $0xFFFE0000, v45;
	v43 =	vand.u32 $0x380, v43  }
0x42: {  	v35 =	vor.u32 v35, v0;
	v52 =	vadd.s32 v0, v37;
	v40 =	vadd.s32 v0, v57  }
0x43: {  	v46 =	vld [tilespmem:$0xB0];
	v37 =	vshll.u32 v56, $0x7;
	v48 =	vadd.s32 v0, v44;
	v41 =	vand.u32 $0x380, v41  }
0x44: {  	v45 =	vadd.s32 v3, v45;
	v44 =	vshll.u32 v49, $0x7;
	v57 =	vshll.u32 v47, $0xE  }
0x45: {  	v47 =	vshll.u32 v47, $0x7;
	v33 =	vor.u32 v35, v33;
	v54 =	vor.u32 v53, v52  }
0x46: {  	v35 =	vand.u32 $0xFFFE0000, v55;
	v58 =	vor.u32 v38, v40;
	v38 =	vadd.s32 v0, v59  }
0x47: {  	v40 =	vand.u32 $0xFFFE0000, v60;
	v37 =	vand.u32 $0x380, v37;
	v41 =	vor.u32 v41, v48  }
0x48: {  	v43 =	vor.u32 v43, v45;
	v52 =	vand.u32 $0xFFFE0000, v51;
	v53 =	vshll.u32 v46, $0xE  }
0x49: {  	v44 =	vand.u32 $0x380, v44;
	v46 =	vshll.u32 v46, $0x7;
	v47 =	vand.u32 $0x380, v47  }
0x4a: {  	v34 =	vor.u32 v1, v33;
	v33 =	vor.u32 v26, v54;
	v35 =	vadd.s32 v0, v35  }
0x4b: {  	v40 =	vadd.s32 v0, v40;
	v38 =	vor.u32 v39, v38;
	v39 =	vand.u32 $0xFFFE0000, v62  }
0x4c: {  	v41 =	vor.u32 v32, v41;
	v45 =	vand.u32 $0xFFFE0000, v53;
	v55 =	vand.u32 $0x380, v46  }
0x4d: {  	v56 =	vld [tilespmem:$0xE0];
	v35 =	vor.u32 v36, v35;
	v37 =	vor.u32 v37, v40;
	v38 =	vor.u32 v29, v38  }
0x4e: {  	v49 =	vld [tilespmem:$0xF0];
	v39 =	vadd.s32 v0, v39;
	v40 =	vshll.u32 v63, $0x7;
	v54 =	vadd.s32 v5, v45  }
0x4f: {  	v45 =	vand.u32 $0xFFFE0000, v57;
	v36 =	vor.u32 v27, v35;
	v35 =	vor.u32 v28, v58  }
0x50: {  	v48 =	vld [tilespmem:$0xD0];
	v37 =	vor.u32 v30, v37;
	v39 =	vor.u32 v42, v39;
	v42 =	vand.u32 $0xFFFE0000, v50  }
0x51: {  	v40 =	vand.u32 $0x380, v40;
	v45 =	vadd.s32 v6, v45;
	v39 =	vor.u32 v31, v39  }
0x52: {  	v40 =	vadd.s32 v40, v2;
	v45 =	vor.u32 v47, v45;
	v59 =	vshll.u32 v56, $0xE  }
0x53: {  	v46 =	vshll.u32 v56, $0x7;
	v51 =	vshll.u32 v49, $0xE;
	v49 =	vshll.u32 v49, $0x7  }
0x54: {  	v61 =	vld [tilespmem:$0x100];
	v40 =	vadd.s32 v42, v40;
	v42 =	vor.u32 v26, v43;
	v43 =	vadd.s32 v4, v52  }
0x55: {  	v53 =	vld [tilespmem:$0x130];
	v50 =	vshll.u32 v48, $0xE;
	v48 =	vshll.u32 v48, $0x7;
	v45 =	vor.u32 v29, v45  }
0x56: {  	v63 =	vld [tilespmem:$0x120];
	v60 =	vand.u32 $0xFFFE0000, v59;
	v46 =	vand.u32 $0x380, v46;
	v51 =	vand.u32 $0xFFFE0000, v51  }
0x57: {  	v49 =	vand.u32 $0x380, v49;
	v43 =	vor.u32 v44, v43;
	v44 =	vor.u32 v55, v54  }
0x58: {  	v58 =	vand.u32 $0xFFFE0000, v50;
	v48 =	vand.u32 $0x380, v48;
	v62 =	vadd.s32 v9, v51  }
0x59: {  	v50 =	vshll.u32 v61, $0x7;
	v43 =	vor.u32 v27, v43;
	v44 =	vor.u32 v28, v44  }
0x5a: {  	v52 =	vld [tilespmem:$0x110];
	v47 =	vadd.s32 v7, v58;
	v58 =	vshll.u32 v61, $0xE;
	v50 =	vand.u32 $0x380, v50  }
0x5b: {  	v55 =	vshll.u32 v63, $0xE;
	v51 =	vshll.u32 v63, $0x7;
	v61 =	vshll.u32 v53, $0xE  }
0x5c: {  	v53 =	vshll.u32 v53, $0x7;
	v47 =	vor.u32 v48, v47;
	v48 =	vadd.s32 v8, v60  }
0x5d: {  	[tilespmem:$0x2C0] =	vst v45;
	v45 =	vld [tilespmem:$0x1C0];
	v50 =	vadd.s32 v50, v10;
	v60 =	vand.u32 $0xFFFE0000, v55;
	v51 =	vand.u32 $0x380, v51  }
0x5e: {  	v56 =	vld [tilespmem:$0x140];
	v57 =	vand.u32 $0x380, v53;
	v46 =	vor.u32 v46, v48;
	v47 =	vor.u32 v30, v47  }
0x5f: {  	v48 =	vor.u32 v49, v62;
	v49 =	vand.u32 $0xFFFE0000, v58;
	v54 =	vshll.u32 v52, $0xE  }
0x60: {  	v46 =	vor.u32 v31, v46;
	v52 =	vshll.u32 v52, $0x7;
	v54 =	vand.u32 $0xFFFE0000, v54  }
0x61: {  	v55 =	vld [tilespmem:$0x150];
	v48 =	vor.u32 v32, v48;
	v52 =	vand.u32 $0x380, v52;
	v54 =	vadd.s32 v11, v54  }
0x62: {  	v49 =	vadd.s32 v49, v50;
	[tilespmem:$0x2F0] =	vst v48;
	v48 =	vshll.u32 v45, $0x7;
	v59 =	vor.u32 v52, v54  }
0x63: {  	[tilespmem:$0x200] =	vst v34;
	v53 =	vld [tilespmem:$0x160];
	v52 =	vadd.s32 v12, v60;
	v54 =	vand.u32 $0xFFFE0000, v61;
	v61 =	vshll.u32 v56, $0x7  }
0x64: {  	[tilespmem:$0x210] =	vst v33;
	v62 =	vor.u32 v51, v52;
	v63 =	vadd.s32 v13, v54;
	v33 =	vor.u32 v26, v59  }
0x65: {  	[tilespmem:$0x220] =	vst v36;
	v59 =	vshll.u32 v56, $0xE;
	v58 =	vor.u32 v57, v63;
	v34 =	vor.u32 v27, v62  }
0x66: {  	[tilespmem:$0x260] =	vst v39;
	v39 =	vld [tilespmem:$0x180];
	v60 =	vand.u32 $0xFFFE0000, v59;
	v62 =	vshll.u32 v55, $0xE;
	v63 =	vand.u32 $0x380, v61  }
0x67: {  	[tilespmem:$0x230] =	vst v35;
	v51 =	vld [tilespmem:$0x170];
	v57 =	vshll.u32 v55, $0x7;
	v36 =	vor.u32 v28, v58;
	v35 =	vadd.s32 v14, v60  }
0x68: {  	v56 =	vand.u32 $0xFFFE0000, v62;
	v59 =	vand.u32 $0x380, v57;
	v60 =	vshll.u32 v53, $0xE  }
0x69: {  	v52 =	vld [tilespmem:$0x190];
	v62 =	vshll.u32 v53, $0x7;
	v58 =	vadd.s32 v15, v56;
	v35 =	vor.u32 v63, v35  }
0x6a: {  	[tilespmem:$0x250] =	vst v37;
	v61 =	vand.u32 $0xFFFE0000, v60;
	v55 =	vand.u32 $0x380, v62;
	v37 =	vor.u32 v59, v58  }
0x6b: {  	[tilespmem:$0x240] =	vst v38;
	v38 =	vadd.s32 v16, v61;
	v35 =	vor.u32 v29, v35;
	v61 =	vshll.u32 v39, $0x7  }
0x6c: {  	[tilespmem:$0x270] =	vst v41;
	v39 =	vshll.u32 v39, $0xE;
	v63 =	vshll.u32 v51, $0xE;
	v57 =	vshll.u32 v51, $0x7  }
0x6d: {  	[tilespmem:$0x280] =	vst v40;
	v53 =	vld [tilespmem:$0x1D0];
	v38 =	vor.u32 v55, v38;
	v37 =	vor.u32 v30, v37;
	v41 =	vand.u32 $0x380, v61  }
0x6e: {  	[tilespmem:$0x290] =	vst v42;
	v60 =	vld [tilespmem:$0x1A0];
	v62 =	vshll.u32 v52, $0xE;
	v39 =	vand.u32 $0xFFFE0000, v39;
	v52 =	vshll.u32 v52, $0x7  }
0x6f: {  	[tilespmem:$0x2A0] =	vst v43;
	v56 =	vand.u32 $0xFFFE0000, v63;
	v59 =	vand.u32 $0x380, v57;
	v38 =	vor.u32 v31, v38  }
0x70: {  	[tilespmem:$0x2E0] =	vst v46;
	v41 =	vadd.s32 v41, v18;
	v43 =	vand.u32 $0xFFFE0000, v62;
	v46 =	vand.u32 $0x380, v52  }
0x71: {  	[tilespmem:$0x350] =	vst v37;
	v37 =	vand.u32 $0x380, v48;
	v58 =	vadd.s32 v17, v56;
	v39 =	vadd.s32 v39, v41  }
0x72: {  	[tilespmem:$0x300] =	vst v49;
	v50 =	vadd.s32 v19, v43;
	v49 =	vshll.u32 v53, $0x7;
	v40 =	vor.u32 v59, v58  }
0x73: {  	[tilespmem:$0x2B0] =	vst v44;
	v63 =	vld [tilespmem:$0x1B0];
	v51 =	vshll.u32 v60, $0xE;
	v42 =	vshll.u32 v60, $0x7;
	v54 =	vor.u32 v46, v50  }
0x74: {  	[tilespmem:$0x2D0] =	vst v47;
	v59 =	vshll.u32 v45, $0xE;
	v46 =	vshll.u32 v53, $0xE;
	v40 =	vor.u32 v32, v40  }
0x75: {  	[tilespmem:$0x310] =	vst v33;
	v60 =	vld [tilespmem:$0x1E0];
	v43 =	vand.u32 $0xFFFE0000, v51;
	v42 =	vand.u32 $0x380, v42;
	v62 =	vand.u32 $0xFFFE0000, v59  }
0x76: {  	[tilespmem:$0x330] =	vst v36;
	v50 =	vld [tilespmem:$0x1F0];
	v36 =	vand.u32 $0xFFFE0000, v46;
	v51 =	vand.u32 $0x380, v49;
	v43 =	vadd.s32 v20, v43  }
0x77: {  	[tilespmem:$0x320] =	vst v34;
	v33 =	vor.u32 v26, v54;
	v36 =	vadd.s32 v23, v36;
	v55 =	vor.u32 v42, v43  }
0x78: {  	[tilespmem:$0x340] =	vst v35;
	v56 =	vshll.u32 v63, $0xE;
	v58 =	vshll.u32 v63, $0x7;
	v63 =	vadd.s32 v22, v62  }
0x79: {  	[tilespmem:$0x360] =	vst v38;
	v36 =	vor.u32 v51, v36;
	v57 =	vand.u32 $0xFFFE0000, v56;
	v61 =	vand.u32 $0x380, v58  }
0x7a: {  	[tilespmem:$0x380] =	vst v39;
	v35 =	vor.u32 v37, v63;
	v54 =	vor.u32 v27, v55;
	v34 =	vadd.s32 v21, v57  }
0x7b: {  	[tilespmem:$0x370] =	vst v40;
	v52 =	vshll.u32 v60, $0xE;
	v53 =	vshll.u32 v60, $0x7;
	v57 =	vshll.u32 v50, $0xE  }
0x7c: {  	[tilespmem:$0x390] =	vst v33;
	v58 =	vor.u32 v29, v35;
	v60 =	vshll.u32 v50, $0x7;
	v34 =	vor.u32 v61, v34  }
0x7d: {  	[tilespmem:$0x3A0] =	vst v54;
	v37 =	vand.u32 $0xFFFE0000, v52;
	v38 =	vand.u32 $0x380, v53;
	v59 =	vand.u32 $0xFFFE0000, v57  }
0x7e: {  	[tilespmem:$0x3C0] =	vst v58;
	v61 =	vor.u32 v30, v36;
	v62 =	vand.u32 $0x380, v60;
	v37 =	vadd.s32 v24, v37  }
0x7f: {  	v55 =	vor.u32 v28, v34;
	v35 =	vadd.s32 v25, v59;
	[tilespmem:$0x3D0] =	vst v61;
	v56 =	vor.u32 v38, v37  }
0x80: {  	[tilespmem:$0x3B0] =	vst v55;
	v63 =	vor.u32 v62, v35;
	v34 =	vor.u32 v31, v56  }
0x81: {  	v33 =	vor.u32 v32, v63;
	[tilespmem:$0x3E0] =	vst v34  }
0x82: {  	[tilespmem:$0x3F0] =	vst v33  }
0x83: {  	[tilespmem:s10], [sflag:$0x1] =	stream.indirect.gather [hbm4b:s1+s8], $0x1, s9, s8, $0xb8;
	[tilespmem:$0x600] =	vst v63  }
0x84: {  	_ = 	snop  }
0x85: {  	[tilespmem:s12], [sflag:$0x1] =	stream.indirect.gather [hbm4b:s1+s8], $0x1, s11, s8, $0xb8;
	[tilespmem:$0x600] =	vst v63  }
0x86: {  	_ = 	snop  }
0x87: {  	[tilespmem:s14], [sflag:$0x1] =	stream.indirect.gather [hbm4b:s1+s8], $0x1, s13, s8, $0xb8;
	[tilespmem:$0x600] =	vst v63  }
0x88: {  	_ = 	snop  }
0x89: {  	[tilespmem:s16], [sflag:$0x1] =	stream.indirect.gather [hbm4b:s1+s8], $0x1, s15, s8, $0xb8;
	[tilespmem:$0x600] =	vst v63  }
0x8a: {  	_ =	swait.ge [sflag:s17], $0x80  }
0x8b: {  	[sflag:s17] =	ssyncset.done $0x0  }
0x8c: {  	[sflag:s17] =	ssyncadd.s32 $0xFFFFFF80  }
0x8d: {  	_ =	swait.ge [sflag:s17], $0x80  }
0x8e: {  	[sflag:s17] =	ssyncset.done $0x0  }
0x8f: {  	[sflag:s17] =	ssyncadd.s32 $0xFFFFFF80  }
0x90: {  	_ =	swait.ge [sflag:s17], $0x80  }
0x91: {  	[sflag:s17] =	ssyncset.done $0x0  }
0x92: {  	[sflag:s17] =	ssyncadd.s32 $0xFFFFFF80  }
0x93: {  	_ =	swait.ge [sflag:s17], $0x80  }
0x94: {  	p0 =	sne.s32 s6, $0x1;
	[sflag:s17] =	ssyncset.done $0x0  }
.Ltmp0:
0x95: {  	[sflag:s17] =	ssyncadd.s32 $0xFFFFFF80;
	(pc) =	sbr.rel @p0 .LBB2_1-.Ltmp0, $4  }
0x96: {  	[hbm4b:s5+s3] =	stream.linear.scatter [tilespmem:s10], [sflag:$0x2], $0x200, $0x38;
	[tilespmem:$0x600] =	vst v63  }
0x97: {  	_ =	swait.ge [sflag:s7], $0x200  }
0x98: {  	[sflag:s7] =	ssyncset.done $0x0  }
0x99: {  	s6 =	sadd.s32 $0xFFFFFFFF, s6;
	[sflag:s7] =	ssyncadd.s32 $0xFFFFFE00  }
0x9a: {  	_ =	sfence.sel $0x180000  }
0x9b: {  	[bflag:$0x0] =	sbarrier.arrive $0xFFFF  }
0x9c: {  	p0 =	sne.s32 s0, $0x0;
	_ =	strace $0x90000047  }
0x9d: {  	s0 =	sadd.s32 @!p0 $0x100000, s2;
	[bflag:$0x2] =	sbarrier.arrive $0xFFFF  }
0x9e: {  	[sflag:s0] =	ssyncadd.tile.s32 @!p0 $0x1;
	_ =	shalt  }
.Lfunc_end2:
_tile_overlayer_lowered:
.L_overlay_start_2:
0x9f: {  	(tag) =	ssettag $0x2  }
0xa0: {  	s0 =	rddreg [dreg:$0x0];
	s2 =	stileid.u32  }
0xa1: {  	s1 =	rddreg [dreg:$0x1];
	p0 =	sne.s32 s2, $0x0  }
0xa2: {  	s3 =	rddreg [dreg:$0x2];
	[bflag:$0x3] =	sbarrier.arrive $0xFFFF;
	s2 =	simm.s32 @!p0 $0x1C02  }
0xa3: {  	[timem:s3], [sflag:s2] =	dma.local @!p0 [hbm:s0], s1  }
0xa4: {  	s0 =	simm.s32 @!p0 $0x2  }
0xa5: {  	_ =	swait.ge @!p0 [sflag:s0], s1  }
0xa6: {  	s1 =	ssub.s32 @!p0 $0x0, s1;
	[sflag:s0] =	ssyncset.done @!p0 $0x0  }
0xa7: {  	[sflag:s0] =	ssyncadd.s32 @!p0 s1  }
0xa8: {  	[bflag:$0x3] =	sbarrier.arrive $0xFFFF  }
0xa9: {  	_ =	shalt  }

// kernel: kernel.8.cloned.1.call-start
scs
__scs_entry_jumppad:
0x0: {  	(pc) =	sbr.rel $0x88, $3  }
0x1: {  	(tag) =	ssettag $0x0;
	lr =	simm.s32 $0x1  }
0x2: {  	[smem:$0x3F9D] =	sst lr;
	_ =	strace $0xD0000000  }
0x3: {  	_ = 	snop  }
0x4: {  	_ = 	snop  }
0x5: {  	_ = 	snop  }
0x6: {  	_ = 	snop  }
0x7: {  	_ = 	snop  }
__scs_overlays_trampoline_lowered:
0x8: {  	[smem:$0x3FAC] =	sst s0  }
0x9: {  	[smem:$0x3FAD] =	sst s1  }
0xa: {  	[smem:$0x3FAE] =	sst s2  }
0xb: {  	[smem:$0x3FAF] =	sst s3  }
0xc: {  	[smem:$0x3FB0] =	sst s4  }
0xd: {  	[smem:$0x3FB1] =	sst s5  }
0xe: {  	[smem:$0x3FB2] =	sst s6  }
0xf: {  	[smem:$0x3FB3] =	sst s7  }
0x10: {  	[smem:$0x3FB4] =	sst s8  }
0x11: {  	[smem:$0x3FB5] =	sst s9;
	s0 =	simm.s32 @!p0 $0x0  }
0x12: {  	s1 =	sld [smem:$0x3F9B];
	s0 =	simm.s32 @p0 $0x1  }
0x13: {  	[smem:$0x3FB6] =	sst s0;
	s0 =	simm.s32 @!p1 $0x0  }
0x14: {  	s2 =	sld [smem:$0x3F9A];
	s0 =	simm.s32 @p1 $0x1  }
0x15: {  	[smem:$0x3FB7] =	sst s0;
	s0 =	simm.s32 @!p2 $0x0  }
0x16: {  	s3 =	sld [smem:$0x3FDB];
	s0 =	simm.s32 @p2 $0x1  }
0x17: {  	s4 =	simm.s32 $0x1BF5;
	[smem:$0x3FB9] =	sst s0  }
0x18: {  	s0 =	sld [smem:$0x3F9C];
	_ =	swait.ge [sflag:s4], $0x0  }
0x19: {  	s7 =	sld [smem:$0x3F9D]  }
0x1a: {  	s8 =	sadd.s32 $0xFFFFE003, lr  }
0x1b: {  	s9 =	sadd.s32 $0xFFFFFEF7, lr;
	s5 =	simm.s32 $0xFFFFFFFF;
	p2 =	slt.u32 s8, $0xFFFFF086  }
0x1c: {  	p1 =	slt.u32 s9, $0xF7A;
	s5 =	simm.s32 @!p2 $0x0  }
0x1d: {  	s5 =	simm.s32 @p1 $0x1;
	p0 =	seq.s32 s7, s2  }
0x1e: {  	s7 =	smul.u32 @!p0 $0xF7A, s2;
	p2 =	seq.s32 @!p0 s5, $0x0  }
0x1f: {  	s9 =	smul.u32 $0xF7A, s1;
	s8 =	simm.s32 @!p0 $0x1BF5;
	p2 =	por !p2, p0  }
0x20: {  	[sflag:s8] =	ssyncset.s32 @!p0 $0xFFFFF086;
	s6 =	sadd.s32 @!p0 s3, s7;
	s7 =	simm.s32 @!p0 $0x108  }
0x21: {  	s3 =	sadd.s32 s3, s9;
	s6 =	sadd.s32 @!p0 $0x88, s6;
	s7 =	simm.s32 @p2 $0x1082  }
0x22: {  	[simem:s7], [sflag:s8] =	dma.local @!p0 [hbm:s6], $0xF7A  }
0x23: {  	s9 =	sor.u32 $0xD0000000, s2;
	s6 =	simm.s32 $0x108;
	_ =	swait.ge @!p0 [sflag:s8], $0x0  }
0x24: {  	s3 =	sadd.s32 $0x88, s3;
	s6 =	simm.s32 @!p1 $0x1082;
	[sflag:s4] =	ssyncset.s32 $0xFFFFF086  }
0x25: {  	[simem:s6], [sflag:s4] =	dma.local [hbm:s3], $0xF7A  }
0x26: {  	[smem:$0x3F9D] =	sst s1;
	(tag) =	ssettag s2;
	_ =	strace s9  }
0x27: {  	s1 =	sld [smem:$0x3FAD]  }
0x28: {  	s2 =	sld [smem:$0x3FAE]  }
0x29: {  	s4 =	sld [smem:$0x3FB0]  }
0x2a: {  	p0 =	seq.s32 s5, $0x0;
	s5 =	sld [smem:$0x3FB1]  }
0x2b: {  	s6 =	sld [smem:$0x3FB2]  }
0x2c: {  	s7 =	sld [smem:$0x3FB3]  }
0x2d: {  	s3 =	simm.s32 $0x108;
	s8 =	sld [smem:$0x3FB4]  }
0x2e: {  	s3 =	simm.s32 @!p0 $0x1082;
	s9 =	sld [smem:$0x3FB5]  }
0x2f: {  	lr =	sadd.s32 s0, s3;
	s0 =	sld [smem:$0x3FAC]  }
0x30: {  	s3 =	sld [smem:$0x3FAF]  }
0x31: {  	[smem:$0x3FB8] =	sst s10  }
0x32: {  	s10 =	sld [smem:$0x3FB6];
	_ =	sdelay $0x3  }
0x33: {  	p0 =	seq.s32 s10, $0x1;
	s10 =	sld [smem:$0x3FB8];
	_ =	sdelay $0x3  }
0x34: {  	[smem:$0x3FB8] =	sst s10  }
0x35: {  	s10 =	sld [smem:$0x3FB7];
	_ =	sdelay $0x3  }
0x36: {  	p1 =	seq.s32 s10, $0x1;
	s10 =	sld [smem:$0x3FB8];
	_ =	sdelay $0x3  }
0x37: {  	[smem:$0x3FB8] =	sst s10  }
0x38: {  	s10 =	sld [smem:$0x3FB9]  }
0x39: {  	_ = 	snop;
	(pc) =	sbr.ind lr, $3  }
0x3a: {  	_ = 	snop  }
0x3b: {  	_ = 	snop  }
0x3c: {  	p2 =	seq.s32 s10, $0x1;
	s10 =	sld [smem:$0x3FB8]  }
0x3d: {  	_ =	shalt  }
0x3e: {  	_ =	shalt  }
0x3f: {  	_ =	shalt  }
0x40: {  	_ =	shalt  }
0x41: {  	_ =	shalt  }
0x42: {  	_ =	shalt  }
0x43: {  	_ =	shalt  }
0x44: {  	_ =	shalt  }
0x45: {  	_ =	shalt  }
0x46: {  	_ =	shalt  }
0x47: {  	_ =	shalt  }
0x48: {  	_ =	shalt  }
0x49: {  	_ =	shalt  }
0x4a: {  	_ =	shalt  }
0x4b: {  	_ =	shalt  }
0x4c: {  	_ =	shalt  }
0x4d: {  	_ =	shalt  }
0x4e: {  	_ =	shalt  }
0x4f: {  	_ =	shalt  }
0x50: {  	_ =	shalt  }
0x51: {  	_ =	shalt  }
0x52: {  	_ =	shalt  }
0x53: {  	_ =	shalt  }
0x54: {  	_ =	shalt  }
0x55: {  	_ =	shalt  }
0x56: {  	_ =	shalt  }
0x57: {  	_ =	shalt  }
0x58: {  	_ =	shalt  }
0x59: {  	_ =	shalt  }
0x5a: {  	_ =	shalt  }
0x5b: {  	_ =	shalt  }
0x5c: {  	_ =	shalt  }
0x5d: {  	_ =	shalt  }
0x5e: {  	_ =	shalt  }
0x5f: {  	_ =	shalt  }
0x60: {  	_ =	shalt  }
0x61: {  	_ =	shalt  }
0x62: {  	_ =	shalt  }
0x63: {  	_ =	shalt  }
0x64: {  	_ =	shalt  }
0x65: {  	_ =	shalt  }
0x66: {  	_ =	shalt  }
0x67: {  	_ =	shalt  }
0x68: {  	_ =	shalt  }
0x69: {  	_ =	shalt  }
0x6a: {  	_ =	shalt  }
0x6b: {  	_ =	shalt  }
0x6c: {  	_ =	shalt  }
0x6d: {  	_ =	shalt  }
0x6e: {  	_ =	shalt  }
0x6f: {  	_ =	shalt  }
0x70: {  	_ =	shalt  }
0x71: {  	_ =	shalt  }
0x72: {  	_ =	shalt  }
0x73: {  	_ =	shalt  }
0x74: {  	_ =	shalt  }
0x75: {  	_ =	shalt  }
0x76: {  	_ =	shalt  }
0x77: {  	_ =	shalt  }
0x78: {  	_ =	shalt  }
0x79: {  	_ =	shalt  }
0x7a: {  	_ =	shalt  }
0x7b: {  	_ =	shalt  }
0x7c: {  	_ =	shalt  }
0x7d: {  	_ =	shalt  }
0x7e: {  	_ =	shalt  }
0x7f: {  	_ =	shalt  }
0x80: {  	_ =	shalt  }
0x81: {  	_ =	shalt  }
0x82: {  	_ =	shalt  }
0x83: {  	_ =	shalt  }
0x84: {  	_ =	shalt  }
0x85: {  	_ =	shalt  }
0x86: {  	_ =	shalt  }
0x87: {  	_ =	shalt  }
.Lfunc_end0:
.L_simem_size_0:
called_computation.1_lowered:
.L_overlay_start_0:
0x88: {  	s2 =	sld [smem:$0x3FD9]  }
0x89: {  	s3 =	sld [smem:$0x3FFE];
	_ =	sdelay $0x1  }
0x8a: {  	s1 =	srdreg.scid  }
0x8b: {  	s0 =	sand.u32 $0x1, s1  }
0x8c: {  	s16 =	sshll.u32 s0, $0xA;
	s2 =	sadd.s32 s3, s2  }
0x8d: {  	s2 =	sadd.s32 s2, s16  }
0x8e: {  	[smem:$0x3FC4] =	sst s2  }
0x8f: {  	_ = 	snop  }
0x90: {  	s17 =	sld [smem:$0x3FD0];
	_ =	sdelay $0x2  }
0x91: {  	s4 =	simm.s32 $0xB;
	s5 =	simm.s32 $0x10;
	s2 =	sld [smem:$0x3FC9]  }
0x92: {  	[smem:s5], [sflag:s4] =	dma.local [hbm:s17], $0x1  }
0x93: {  	_ =	swait.eq [sflag:s4], $0x1  }
0x94: {  	[sflag:s4] =	ssyncset.done $0x0  }
0x95: {  	[sflag:s4] =	ssyncadd.s32 $0xFFFFFFFF  }
0x96: {  	s18 =	sld [smem:$0x10];
	(tm) =	ssettm $0x1  }
0x97: {  	s19 =	sld [smem:$0x3FFB];
	_ =	sdelay $0x3  }
0x98: {  	_ =	strace s19  }
0x99: {  	s3 =	sld [smem:$0x3FFC];
	_ =	sdelay $0x3  }
0x9a: {  	_ =	strace s3  }
0x9b: {  	s3 =	sld [smem:$0x3FFD];
	_ =	sdelay $0x3  }
0x9c: {  	_ =	strace s3  }
0x9d: {  	_ =	strace $0x8FFFFFFF  }
0x9e: {  	s20 =	sld [smem:$0x3FDB];
	_ =	sdelay $0x1  }
0x9f: {  	s21 =	simm.s32 $_scs_section_size  }
0xa0: {  	s6 =	simm.s32 $_size__tile_overlayer_lowered;
	s7 =	simm.s32 $_tile_overlayer_lowered  }
0xa1: {  	s8 =	simm.s32 $0x1BFF;
	s22 =	sshll.u32 s7, $0x1;
	s5 =	sadd.s32 s21, s20  }
0xa2: {  	s23 =	simm.s32 $0x0;
	s6 =	sshll.u32 s6, $0x1;
	s7 =	sadd.s32 s22, s5  }
0xa3: {  	[timem:s23], [sflag:s8] =	dma.local [hbm:s7], s6  }
0xa4: {  	_ =	swait.ge [sflag:s8], s6  }
0xa5: {  	s6 =	ssub.s32 $0x0, s6;
	[sflag:s8] =	ssyncset.done $0x0  }
0xa6: {  	[sflag:s8] =	ssyncadd.s32 s6;
	_ =	sdelay $0x1  }
0xa7: {  	s24 =	simm.s32 $0x1B8B  }
0xa8: {  	_ =	swait.ge [sflag:s24], $0x1  }
0xa9: {  	[sflag:s24] =	ssyncset.done $0x0  }
0xaa: {  	[sflag:s24] =	ssyncadd.s32 $0xFFFFFFFF  }
0xab: {  	s6 =	sld [smem:$0x0]  }
0xac: {  	s7 =	sand.u32 $0xFFFFFFFE, s1  }
0xad: {  	p0 =	sne.s32 s1, s7  }
0xae: {  	s7 =	sshll.u32 @p0 s7, $0xE  }
0xaf: {  	s7 =	sadd.s32 @p0 $0x11B8D, s7;
	s8 =	sshll.u32 @p0 s6, $0x11  }
0xb0: {  	s7 =	sor.u32 @p0 s8, s7  }
0xb1: {  	[sflag:s7] =	ssyncadd.remote.s32 @p0 $0x1;
	_ =	sdelay $0x1  }
0xb2: {  	s7 =	simm.s32 @p0 $0x1B8D  }
0xb3: {  	_ =	swait.eq @p0 [sflag:s7], $0x1  }
0xb4: {  	[sflag:s7] =	ssyncadd.s32 @p0 $0xFFFFFFFF  }
0xb5: {  	s8 =	sshll.u32 @!p0 s1, $0xE  }
0xb6: {  	s8 =	sor.u32 @!p0 $0x4000, s8;
	s7 =	simm.s32 @!p0 $0x1B8D  }
0xb7: {  	s6 =	sshll.u32 @!p0 s6, $0x11;
	s8 =	sadd.s32 @!p0 $0x11B8D, s8;
	_ =	swait.eq @!p0 [sflag:s7], $0x1  }
0xb8: {  	s6 =	sor.u32 @!p0 s6, s8;
	[sflag:s7] =	ssyncadd.s32 @!p0 $0xFFFFFFFF  }
0xb9: {  	s25 =	simm.s32 $0x1B8E;
	[sflag:s6] =	ssyncadd.remote.s32 @!p0 $0x1  }
0xba: {  	s26 =	simm.s32 $execute0_lowered;
	[smem:$0x3FD2] =	sst s25  }
0xbb: {  	s6 =	sshll.u32 s26, $0x1;
	_ =	strace $0x80000049;
	[dreg:$0x1] =	wrdreg $0xFFFFFFFF  }
0xbc: {  	s28 =	simm.s32 $_size_execute0_lowered;
	s5 =	sadd.s32 s5, s6;
	[dreg:$0x0] =	wrdreg $0x0  }
0xbd: {  	s6 =	sshll.u32 s28, $0x1;
	[dreg:$0x2] =	wrdreg s5  }
0xbe: {  	[dreg:$0x3] =	wrdreg s6  }
0xbf: {  	[dreg:$0x4] =	wrdreg $0xC0  }
0xc0: {  	_ =	task [dreg:s23], $0x5FFFF  }
0xc1: {  	[dreg:$0x1] =	wrdreg $0xFFFFFFFF  }
0xc2: {  	[dreg:$0x0] =	wrdreg $0x60  }
0xc3: {  	[dreg:$0x2] =	wrdreg s2  }
0xc4: {  	[dreg:$0x3] =	wrdreg s18  }
0xc5: {  	[dreg:$0x4] =	wrdreg $0xA  }
0xc6: {  	_ =	task.clear_ibuf [dreg:s23], $0x5FFFF;
	_ =	strace $0x90000049  }
0xc7: {  	s29 =	simm.s32 $0xA;
	_ =	strace $0x8000004B  }
0xc8: {  	_ =	swait.ge [sflag:s29], $0x1  }
0xc9: {  	[sflag:s29] =	ssyncadd.s32 $0xFFFFFFFF  }
0xca: {  	_ =	strace $0x9000004B  }
0xcb: {  	_ =	sfence  }
0xcc: {  	s30 =	sld [smem:$0x0];
	_ =	sdelay $0x2  }
0xcd: {  	s31 =	sshll.u32 s1, $0xD;
	s1 =	sshrl.u32 s1, $0x2  }
0xce: {  	s4 =	sand.u32 $0x4000, s31;
	s1 =	sadd.s32 s1, s30  }
0xcf: {  	s0 =	sor.u32 s4, s0;
	s1 =	sshll.u32 s1, $0x11  }
0xd0: {  	s0 =	sor.u32 s1, s0  }
0xd1: {  	s0 =	sadd.s32 $0x8F2B, s0  }
0xd2: {  	[sflag:s0] =	ssyncadd.remote.s32 $0x1  }
0xd3: {  	_ =	sfence.sel $0xFFFF  }
0xd4: {  	[dreg:$0x0] =	wrdreg $0xFFFFFFFF;
	(pc) =	sbr.abs _section_cstart, $3  }
0xd5: {  	[dreg:$0x1] =	wrdreg $0xFFFFFFFF  }
0xd6: {  	_ =	task.clear_ibuf [dreg:s23], $0x2FFFF;
	_ =	strace $0x9FFFFFFF  }
0xd7: {  	(tm) =	ssettm $0x7FFFFFFF  }
tec
execute0_lowered:
.L_overlay_start_1:
0x0: {  	(tag) =	ssettag $0x1  }
0x1: {  	s1 =	srdreg.scid;
	s0 =	stileid.u32  }
0x2: {  	s23 =	sand.u32 $0x1, s1;
	s29 =	sshll.u32 s0, $0x1  }
0x3: {  	s21 =	rddreg [dreg:$0x0];
	s1 =	sor.u32 s23, s29  }
0x4: {  	s24 =	rddreg [dreg:$0x1];
	s2 =	simm.s32 $0x0;
	s3 =	smul.u32 $0x7D000, s1  }
0x5: {  	[smem:$0x7FF] =	sst s2  }
0x6: {  	s1 =	rddreg [dreg:$0x2];
	s22 =	sshrl.u32 s3, $0x3  }
0x7: {  	_ =	strace $0x8000004A;
	s3 =	sadd.s32 s21, s22;
	s11 =	sadd.s32 $0x1F40, s22  }
0x8: {  	[tilespmem:s2], [sflag:$0x1] =	stream.linear.gather [hbm4b:s3+s2], $0xFA00, $0x38;
	[tilespmem:$0x1F400] =	vst v63  }
0x9: {  	s5 =	simm.s32 $0xFA00;
	s6 =	simm.s32 $0x1;
	s4 =	sadd.s32 s21, s11  }
0xa: {  	[tilespmem:s5], [sflag:$0x2] =	stream.linear.gather [hbm4b:s4+s2], $0xFA00, $0x38;
	[tilespmem:$0x1F400] =	vst v63  }
0xb: {  	_ =	swait.ge [sflag:s6], $0xFA00  }
0xc: {  	[sflag:s6] =	ssyncset.done $0x0  }
0xd: {  	s8 =	simm.s32 $0x3;
	s7 =	sadd.s32 s24, s22;
	[sflag:s6] =	ssyncadd.s32 $0xFFFF0600  }
0xe: {  	[hbm4b:s7+s2] =	stream.linear.scatter [tilespmem:s2], [sflag:$0x3], $0xFA00, $0x38;
	[tilespmem:$0x1F400] =	vst v63  }
0xf: {  	_ =	swait.ge [sflag:s8], $0xFA00  }
0x10: {  	s14 =	sadd.s32 $0x3E80, s22;
	[sflag:s8] =	ssyncset.done $0x0  }
0x11: {  	s10 =	simm.s32 $0x2;
	s9 =	sadd.s32 s21, s14;
	[sflag:s8] =	ssyncadd.s32 $0xFFFF0600  }
0x12: {  	[tilespmem:s2], [sflag:$0x1] =	stream.linear.gather [hbm4b:s9+s2], $0xFA00, $0x38;
	[tilespmem:$0x1F400] =	vst v63  }
0x13: {  	_ =	swait.ge [sflag:s10], $0xFA00  }
0x14: {  	[sflag:s10] =	ssyncset.done $0x0  }
0x15: {  	s12 =	sadd.s32 s24, s11;
	s11 =	simm.s32 $0x4;
	[sflag:s10] =	ssyncadd.s32 $0xFFFF0600  }
0x16: {  	[hbm4b:s12+s2] =	stream.linear.scatter [tilespmem:s5], [sflag:$0x4], $0xFA00, $0x38;
	[tilespmem:$0x1F400] =	vst v63  }
0x17: {  	_ =	swait.ge [sflag:s11], $0xFA00  }
0x18: {  	s16 =	sadd.s32 $0x5DC0, s22;
	[sflag:s11] =	ssyncset.done $0x0  }
0x19: {  	s13 =	sadd.s32 s21, s16;
	[sflag:s11] =	ssyncadd.s32 $0xFFFF0600  }
0x1a: {  	[tilespmem:s5], [sflag:$0x2] =	stream.linear.gather [hbm4b:s13+s2], $0xFA00, $0x38;
	[tilespmem:$0x1F400] =	vst v63  }
0x1b: {  	_ =	swait.ge [sflag:s6], $0xFA00  }
0x1c: {  	[sflag:s6] =	ssyncset.done $0x0  }
0x1d: {  	s14 =	sadd.s32 s24, s14;
	[sflag:s6] =	ssyncadd.s32 $0xFFFF0600  }
0x1e: {  	[hbm4b:s14+s2] =	stream.linear.scatter [tilespmem:s2], [sflag:$0x3], $0xFA00, $0x38;
	[tilespmem:$0x1F400] =	vst v63  }
0x1f: {  	_ =	swait.ge [sflag:s8], $0xFA00  }
0x20: {  	s18 =	sadd.s32 $0x7D00, s22;
	[sflag:s8] =	ssyncset.done $0x0  }
0x21: {  	s15 =	sadd.s32 s21, s18;
	[sflag:s8] =	ssyncadd.s32 $0xFFFF0600  }
0x22: {  	[tilespmem:s2], [sflag:$0x1] =	stream.linear.gather [hbm4b:s15+s2], $0xFA00, $0x38;
	[tilespmem:$0x1F400] =	vst v63  }
0x23: {  	_ =	swait.ge [sflag:s10], $0xFA00  }
0x24: {  	[sflag:s10] =	ssyncset.done $0x0  }
0x25: {  	s16 =	sadd.s32 s24, s16;
	[sflag:s10] =	ssyncadd.s32 $0xFFFF0600  }
0x26: {  	[hbm4b:s16+s2] =	stream.linear.scatter [tilespmem:s5], [sflag:$0x4], $0xFA00, $0x38;
	[tilespmem:$0x1F400] =	vst v63  }
0x27: {  	_ =	swait.ge [sflag:s11], $0xFA00  }
0x28: {  	s20 =	sadd.s32 $0x9C40, s22;
	[sflag:s11] =	ssyncset.done $0x0  }
0x29: {  	s17 =	sadd.s32 s21, s20;
	[sflag:s11] =	ssyncadd.s32 $0xFFFF0600  }
0x2a: {  	[tilespmem:s5], [sflag:$0x2] =	stream.linear.gather [hbm4b:s17+s2], $0xFA00, $0x38;
	[tilespmem:$0x1F400] =	vst v63  }
0x2b: {  	_ =	swait.ge [sflag:s6], $0xFA00  }
0x2c: {  	[sflag:s6] =	ssyncset.done $0x0  }
0x2d: {  	s18 =	sadd.s32 s24, s18;
	[sflag:s6] =	ssyncadd.s32 $0xFFFF0600  }
0x2e: {  	[hbm4b:s18+s2] =	stream.linear.scatter [tilespmem:s2], [sflag:$0x3], $0xFA00, $0x38;
	[tilespmem:$0x1F400] =	vst v63  }
0x2f: {  	_ =	swait.ge [sflag:s8], $0xFA00  }
0x30: {  	s25 =	sadd.s32 $0xBB80, s22;
	[sflag:s8] =	ssyncset.done $0x0  }
0x31: {  	s19 =	sadd.s32 s21, s25;
	[sflag:s8] =	ssyncadd.s32 $0xFFFF0600  }
0x32: {  	[tilespmem:s2], [sflag:$0x1] =	stream.linear.gather [hbm4b:s19+s2], $0xFA00, $0x38;
	[tilespmem:$0x1F400] =	vst v63  }
0x33: {  	_ =	swait.ge [sflag:s10], $0xFA00  }
0x34: {  	[sflag:s10] =	ssyncset.done $0x0  }
0x35: {  	s20 =	sadd.s32 s24, s20;
	[sflag:s10] =	ssyncadd.s32 $0xFFFF0600  }
0x36: {  	[hbm4b:s20+s2] =	stream.linear.scatter [tilespmem:s5], [sflag:$0x4], $0xFA00, $0x38;
	[tilespmem:$0x1F400] =	vst v63  }
0x37: {  	_ =	swait.ge [sflag:s11], $0xFA00  }
0x38: {  	s26 =	sadd.s32 $0xDAC0, s22;
	[sflag:s11] =	ssyncset.done $0x0  }
0x39: {  	s21 =	sadd.s32 s21, s26;
	[sflag:s11] =	ssyncadd.s32 $0xFFFF0600  }
0x3a: {  	[tilespmem:s5], [sflag:$0x2] =	stream.linear.gather [hbm4b:s21+s2], $0xFA00, $0x38;
	[tilespmem:$0x1F400] =	vst v63  }
0x3b: {  	_ =	swait.ge [sflag:s6], $0xFA00  }
0x3c: {  	s30 =	ssub.s32 $0x2, s23;
	[sflag:s6] =	ssyncset.done $0x0  }
0x3d: {  	s31 =	sshrl.u32 s30, $0x1;
	s22 =	sadd.s32 s24, s25;
	[sflag:s6] =	ssyncadd.s32 $0xFFFF0600  }
0x3e: {  	[hbm4b:s22+s2] =	stream.linear.scatter [tilespmem:s2], [sflag:$0x3], $0xFA00, $0x38;
	[tilespmem:$0x1F400] =	vst v63  }
0x3f: {  	s23 =	sadd.s32 s24, s26;
	s24 =	ssub.s32 s30, s31;
	_ =	swait.ge [sflag:s10], $0xFA00  }
0x40: {  	s24 =	smax.u32 s24, $0x1;
	[sflag:s10] =	ssyncset.done $0x0  }
0x41: {  	p0 =	sne.s32 s24, $0x1;
	[sflag:s10] =	ssyncadd.s32 $0xFFFF0600  }
0x42: {  	[hbm4b:s23+s2] =	stream.linear.scatter [tilespmem:s5], [sflag:$0x4], $0xFA00, $0x38;
	[tilespmem:$0x1F400] =	vst v63  }
.Ltmp0:
0x43: {  	_ =	swait.ge [sflag:s8], $0xFA00;
	(pc) =	sbr.rel @!p0 .LBB2_2-.Ltmp0, $4  }
0x44: {  	[sflag:s8] =	ssyncset.done $0x0  }
0x45: {  	[sflag:s8] =	ssyncadd.s32 $0xFFFF0600  }
0x46: {  	_ =	swait.ge [sflag:s11], $0xFA00  }
0x47: {  	s24 =	sadd.s32 $0xFFFFFFFF, s24;
	[sflag:s11] =	ssyncset.done $0x0  }
.LBB2_1:
0x48: {  	p0 =	sne.s32 s24, $0x1;
	s24 =	sadd.s32 $0xFFFFFFFF, s24;
	[sflag:s11] =	ssyncadd.s32 $0xFFFF0600  }
0x49: {  	[tilespmem:s2], [sflag:$0x1] =	stream.linear.gather [hbm4b:s3+s2], $0xFA00, $0x38;
	[tilespmem:$0x1F400] =	vst v63  }
0x4a: {  	_ = 	snop  }
0x4b: {  	[tilespmem:s5], [sflag:$0x2] =	stream.linear.gather [hbm4b:s4+s2], $0xFA00, $0x38;
	[tilespmem:$0x1F400] =	vst v63  }
0x4c: {  	_ =	swait.ge [sflag:s6], $0xFA00  }
0x4d: {  	[sflag:s6] =	ssyncset.done $0x0  }
0x4e: {  	[sflag:s6] =	ssyncadd.s32 $0xFFFF0600  }
0x4f: {  	[hbm4b:s7+s2] =	stream.linear.scatter [tilespmem:s2], [sflag:$0x3], $0xFA00, $0x38;
	[tilespmem:$0x1F400] =	vst v63  }
0x50: {  	_ =	swait.ge [sflag:s8], $0xFA00  }
0x51: {  	[sflag:s8] =	ssyncset.done $0x0  }
0x52: {  	[sflag:s8] =	ssyncadd.s32 $0xFFFF0600  }
0x53: {  	[tilespmem:s2], [sflag:$0x1] =	stream.linear.gather [hbm4b:s9+s2], $0xFA00, $0x38;
	[tilespmem:$0x1F400] =	vst v63  }
0x54: {  	_ =	swait.ge [sflag:s10], $0xFA00  }
0x55: {  	[sflag:s10] =	ssyncset.done $0x0  }
0x56: {  	[sflag:s10] =	ssyncadd.s32 $0xFFFF0600  }
0x57: {  	[hbm4b:s12+s2] =	stream.linear.scatter [tilespmem:s5], [sflag:$0x4], $0xFA00, $0x38;
	[tilespmem:$0x1F400] =	vst v63  }
0x58: {  	_ =	swait.ge [sflag:s11], $0xFA00  }
0x59: {  	[sflag:s11] =	ssyncset.done $0x0  }
0x5a: {  	[sflag:s11] =	ssyncadd.s32 $0xFFFF0600  }
0x5b: {  	[tilespmem:s5], [sflag:$0x2] =	stream.linear.gather [hbm4b:s13+s2], $0xFA00, $0x38;
	[tilespmem:$0x1F400] =	vst v63  }
0x5c: {  	_ =	swait.ge [sflag:s6], $0xFA00  }
0x5d: {  	[sflag:s6] =	ssyncset.done $0x0  }
0x5e: {  	[sflag:s6] =	ssyncadd.s32 $0xFFFF0600  }
0x5f: {  	[hbm4b:s14+s2] =	stream.linear.scatter [tilespmem:s2], [sflag:$0x3], $0xFA00, $0x38;
	[tilespmem:$0x1F400] =	vst v63  }
0x60: {  	_ =	swait.ge [sflag:s8], $0xFA00  }
0x61: {  	[sflag:s8] =	ssyncset.done $0x0  }
0x62: {  	[sflag:s8] =	ssyncadd.s32 $0xFFFF0600  }
0x63: {  	[tilespmem:s2], [sflag:$0x1] =	stream.linear.gather [hbm4b:s15+s2], $0xFA00, $0x38;
	[tilespmem:$0x1F400] =	vst v63  }
0x64: {  	_ =	swait.ge [sflag:s10], $0xFA00  }
0x65: {  	[sflag:s10] =	ssyncset.done $0x0  }
0x66: {  	[sflag:s10] =	ssyncadd.s32 $0xFFFF0600  }
0x67: {  	[hbm4b:s16+s2] =	stream.linear.scatter [tilespmem:s5], [sflag:$0x4], $0xFA00, $0x38;
	[tilespmem:$0x1F400] =	vst v63  }
0x68: {  	_ =	swait.ge [sflag:s11], $0xFA00  }
0x69: {  	[sflag:s11] =	ssyncset.done $0x0  }
0x6a: {  	[sflag:s11] =	ssyncadd.s32 $0xFFFF0600  }
0x6b: {  	[tilespmem:s5], [sflag:$0x2] =	stream.linear.gather [hbm4b:s17+s2], $0xFA00, $0x38;
	[tilespmem:$0x1F400] =	vst v63  }
0x6c: {  	_ =	swait.ge [sflag:s6], $0xFA00  }
0x6d: {  	[sflag:s6] =	ssyncset.done $0x0  }
0x6e: {  	[sflag:s6] =	ssyncadd.s32 $0xFFFF0600  }
0x6f: {  	[hbm4b:s18+s2] =	stream.linear.scatter [tilespmem:s2], [sflag:$0x3], $0xFA00, $0x38;
	[tilespmem:$0x1F400] =	vst v63  }
0x70: {  	_ =	swait.ge [sflag:s8], $0xFA00  }
0x71: {  	[sflag:s8] =	ssyncset.done $0x0  }
0x72: {  	[sflag:s8] =	ssyncadd.s32 $0xFFFF0600  }
0x73: {  	[tilespmem:s2], [sflag:$0x1] =	stream.linear.gather [hbm4b:s19+s2], $0xFA00, $0x38;
	[tilespmem:$0x1F400] =	vst v63  }
0x74: {  	_ =	swait.ge [sflag:s10], $0xFA00  }
0x75: {  	[sflag:s10] =	ssyncset.done $0x0  }
0x76: {  	[sflag:s10] =	ssyncadd.s32 $0xFFFF0600  }
0x77: {  	[hbm4b:s20+s2] =	stream.linear.scatter [tilespmem:s5], [sflag:$0x4], $0xFA00, $0x38;
	[tilespmem:$0x1F400] =	vst v63  }
0x78: {  	_ =	swait.ge [sflag:s11], $0xFA00  }
0x79: {  	[sflag:s11] =	ssyncset.done $0x0  }
0x7a: {  	[sflag:s11] =	ssyncadd.s32 $0xFFFF0600  }
0x7b: {  	[tilespmem:s5], [sflag:$0x2] =	stream.linear.gather [hbm4b:s21+s2], $0xFA00, $0x38;
	[tilespmem:$0x1F400] =	vst v63  }
0x7c: {  	_ =	swait.ge [sflag:s6], $0xFA00  }
0x7d: {  	[sflag:s6] =	ssyncset.done $0x0  }
0x7e: {  	[sflag:s6] =	ssyncadd.s32 $0xFFFF0600  }
0x7f: {  	[hbm4b:s22+s2] =	stream.linear.scatter [tilespmem:s2], [sflag:$0x3], $0xFA00, $0x38;
	[tilespmem:$0x1F400] =	vst v63  }
0x80: {  	_ =	swait.ge [sflag:s10], $0xFA00  }
0x81: {  	[sflag:s10] =	ssyncset.done $0x0  }
0x82: {  	[sflag:s10] =	ssyncadd.s32 $0xFFFF0600  }
0x83: {  	[hbm4b:s23+s2] =	stream.linear.scatter [tilespmem:s5], [sflag:$0x4], $0xFA00, $0x38;
	[tilespmem:$0x1F400] =	vst v63  }
.Ltmp1:
0x84: {  	_ =	swait.ge [sflag:s8], $0xFA00;
	(pc) =	sbr.rel @p0 .LBB2_1-.Ltmp1, $4  }
0x85: {  	[sflag:s8] =	ssyncset.done $0x0  }
0x86: {  	[sflag:s8] =	ssyncadd.s32 $0xFFFF0600  }
0x87: {  	_ =	swait.ge [sflag:s11], $0xFA00  }
0x88: {  	[sflag:s11] =	ssyncset.done $0x0  }
.LBB2_2:
0x89: {  	[sflag:s11] =	ssyncadd.s32 $0xFFFF0600  }
0x8a: {  	_ =	sfence.sel $0x180000  }
0x8b: {  	[bflag:$0x0] =	sbarrier.arrive $0xFFFF  }
0x8c: {  	p0 =	sne.s32 s0, $0x0;
	_ =	strace $0x9000004A  }
0x8d: {  	s0 =	sadd.s32 @!p0 $0x100000, s1;
	[bflag:$0x2] =	sbarrier.arrive $0xFFFF  }
0x8e: {  	[sflag:s0] =	ssyncadd.tile.s32 @!p0 $0x1;
	_ =	shalt  }
.Lfunc_end2:
_tile_overlayer_lowered:
.L_overlay_start_2:
0x8f: {  	(tag) =	ssettag $0x2  }
0x90: {  	s0 =	rddreg [dreg:$0x0];
	s2 =	stileid.u32  }
0x91: {  	s1 =	rddreg [dreg:$0x1];
	p0 =	sne.s32 s2, $0x0  }
0x92: {  	s3 =	rddreg [dreg:$0x2];
	[bflag:$0x3] =	sbarrier.arrive $0xFFFF;
	s2 =	simm.s32 @!p0 $0x1C05  }
0x93: {  	[timem:s3], [sflag:s2] =	dma.local @!p0 [hbm:s0], s1  }
0x94: {  	s0 =	simm.s32 @!p0 $0x5  }
0x95: {  	_ =	swait.ge @!p0 [sflag:s0], s1  }
0x96: {  	s1 =	ssub.s32 @!p0 $0x0, s1;
	[sflag:s0] =	ssyncset.done @!p0 $0x0  }
0x97: {  	[sflag:s0] =	ssyncadd.s32 @!p0 s1  }
0x98: {  	[bflag:$0x3] =	sbarrier.arrive $0xFFFF  }
0x99: {  	_ =	shalt  }

</sc_bundles>
